<compile_context>
chip_gen: v7x
topology: tpu7x:2x2x1
jax: 0.10.2.dev20260603
libtpu: 0.0.44.dev20260713+nightly
codegen_flags: <defaults>
</compile_context>

<pallas_src>
import jax
import jax.numpy as jnp
from jax import lax
from jax.experimental import pallas as pl
from jax.experimental.pallas import tpu as pltpu
from jax.experimental.pallas import tpu_sc as plsc

B = 64
H = 7
W = 7
HW = 49
HW_PAD = 64
T = 30
NOBJ = 16
ABN = 10
CLASS_NUM = 20
COORD_RATE = 5.0
NOOBJ_RATE = 0.5
NC = 2
NS = 16
L = 16
IMGS_PER_WORKER = B // (NC * NS)


def _xlane_bcast(x, jidx):
    return lax.gather(
        x, jidx[:, None],
        lax.GatherDimensionNumbers(
            offset_dims=(), collapsed_slice_dims=(0,), start_index_map=(0,)),
        slice_sizes=(1,),
        mode=lax.GatherScatterMode.PROMISE_IN_BOUNDS)


def _sc_sqrt(x):
    bits = plsc.bitcast(x, jnp.int32)
    y = plsc.bitcast((bits >> 1) + jnp.int32(0x1FBD1DF6), jnp.float32)
    y = 0.5 * (y + x / y)
    y = 0.5 * (y + x / y)
    y = 0.5 * (y + x / y)
    return y


IMG_STRIDE = (T + 5) * HW_PAD


def _image_loss(outbuf, b_img):
    ib = b_img * IMG_STRIDE
    x1 = outbuf[pl.ds(ib + (T + 0) * HW_PAD, L)]
    y1 = outbuf[pl.ds(ib + (T + 1) * HW_PAD, L)]
    x2 = outbuf[pl.ds(ib + (T + 2) * HW_PAD, L)]
    y2 = outbuf[pl.ds(ib + (T + 3) * HW_PAD, L)]
    clsf = outbuf[pl.ds(ib + (T + 4) * HW_PAD, L)]

    tcx = (x1 + x2) / 2.0
    tcy = (y1 + y2) / 2.0
    tw = x2 - x1
    th = y2 - y1
    dx = tcx * float(W)
    dy = tcy * float(H)
    txi = dx.astype(jnp.int32)
    tyi = dy.astype(jnp.int32)
    tx = txi.astype(jnp.float32)
    ty = tyi.astype(jnp.float32)
    gxx = jnp.where(tx == dx, tx - 1.0, tx)
    gyy = jnp.where(ty == dy, ty - 1.0, ty)
    ddx = dx - gxx
    ddy = dy - gyy
    p = (gyy * float(W) + gxx).astype(jnp.int32)
    p_c = jnp.clip(p, 0, HW - 1)
    cls = clsf.astype(jnp.int32)

    def grow(j):
        return plsc.load_gather(outbuf, [ib + j * HW_PAD + p_c])

    ptb = [grow(j) for j in range(ABN)]

    gy_i = p_c // W
    gx_i = p_c - gy_i * W
    gy_f = gy_i.astype(jnp.float32)
    gx_f = gx_i.astype(jnp.float32)

    def iou_of(off):
        cx = (ptb[off + 0] + gx_f) / float(W)
        cy = (ptb[off + 1] + gy_f) / float(H)
        pw = ptb[off + 2]
        ph = ptb[off + 3]
        bx1 = cx - pw / 2.0
        by1 = cy - ph / 2.0
        bx2 = cx + pw / 2.0
        by2 = cy + ph / 2.0
        a1 = (x2 - x1) * (y2 - y1)
        a2 = (bx2 - bx1) * (by2 - by1)
        iw = jnp.maximum(jnp.minimum(x2, bx2) - jnp.maximum(x1, bx1), 0.0)
        ih = jnp.maximum(jnp.minimum(y2, by2) - jnp.maximum(y1, by1), 0.0)
        inter = iw * ih
        union = jnp.maximum(a1 + a2 - inter, 1e-12)
        return inter / union

    iou0 = iou_of(0)
    iou1 = iou_of(5)
    use1 = iou1 > iou0
    max_iou = jnp.maximum(iou0, iou1)
    valid = ((x1 + y1 + x2 + y2) != 0.0) & (max_iou != 0.0)
    iou_v = jnp.where(valid, max_iou, -1.0)

    p_f = p.astype(jnp.float32)
    lane = lax.iota(jnp.int32, L)
    beaten = jnp.zeros((L,), jnp.bool_)
    for j in range(NOBJ):
        jidx = jnp.full((L,), j, jnp.int32)
        pj = _xlane_bcast(p_f, jidx)
        ij = _xlane_bcast(iou_v, jidx)
        beats = (pj == p_f) & ((ij > iou_v) | ((ij == iou_v) & (jidx < lane)))
        beaten = beaten | beats
    winner = valid & jnp.logical_not(beaten)

    def sel(a0, a1):
        return jnp.where(use1, a1, a0)

    px = sel(ptb[0], ptb[5])
    py = sel(ptb[1], ptb[6])
    pw = sel(ptb[2], ptb[7])
    ph = sel(ptb[3], ptb[8])
    pc = sel(ptb[4], ptb[9])

    dcx = px - ddx
    dcy = py - ddy
    center = COORD_RATE * (dcx * dcx + dcy * dcy)
    dsw = _sc_sqrt(pw) - _sc_sqrt(tw)
    dsh = _sc_sqrt(ph) - _sc_sqrt(th)
    size = COORD_RATE * (dsw * dsw + dsh * dsh)
    dconf = pc - max_iou
    conf_obj = dconf * dconf
    noobj_corr = -NOOBJ_RATE * pc * pc

    clssq = jnp.zeros((L,), jnp.float32)
    for c in range(CLASS_NUM):
        v = grow(ABN + c)
        clssq = clssq + v * v
    pcl_at = plsc.load_gather(
        outbuf, [ib + (ABN + cls) * HW_PAD + p_c])
    cls_term = clssq - 2.0 * pcl_at + 1.0

    contrib = jnp.where(winner,
                        center + size + conf_obj + noobj_corr + cls_term,
                        0.0)

    conf_sq = jnp.zeros((L,), jnp.float32)
    for i in range(HW_PAD // L):
        v4 = outbuf[pl.ds(ib + 4 * HW_PAD + i * L, L)]
        v9 = outbuf[pl.ds(ib + 9 * HW_PAD + i * L, L)]
        conf_sq = conf_sq + v4 * v4 + v9 * v9

    return contrib + NOOBJ_RATE * conf_sq


def _yolo_loss_kernel(data_hbm, out_hbm, outbuf, resbuf):
    wid = lax.axis_index("s") * NC + lax.axis_index("c")
    base = wid * IMGS_PER_WORKER * IMG_STRIDE
    pltpu.sync_copy(
        data_hbm.at[pl.ds(base, IMGS_PER_WORKER * IMG_STRIDE)], outbuf)
    acc = jnp.zeros((L,), jnp.float32)
    for img in range(IMGS_PER_WORKER):
        acc = acc + _image_loss(outbuf, img)
    total = jnp.sum(acc, axis=0)
    resbuf[...] = jnp.full((L,), total, jnp.float32)
    pltpu.sync_copy(resbuf, out_hbm.at[wid])


@jax.jit
def _yolo_loss(output, truths):
    out_t = output.reshape(B, HW, T).transpose(0, 2, 1)
    out_t = jnp.pad(out_t, ((0, 0), (0, 0), (0, HW_PAD - HW)))
    tru_t = truths.transpose(0, 2, 1)
    tru_t = jnp.pad(tru_t, ((0, 0), (0, 0), (0, HW_PAD - NOBJ)))
    data = jnp.concatenate([out_t, tru_t], axis=1).reshape(-1)

    mesh = plsc.VectorSubcoreMesh(
        core_axis_name="c", subcore_axis_name="s",
        num_cores=NC, num_subcores=NS)
    partials = pl.kernel(
        _yolo_loss_kernel,
        out_type=jax.ShapeDtypeStruct((NC * NS, L), jnp.float32),
        mesh=mesh,
        compiler_params=pltpu.CompilerParams(needs_layout_passes=False),
        scratch_types=[
            pltpu.VMEM((IMGS_PER_WORKER * (T + 5) * HW_PAD,), jnp.float32),
            pltpu.VMEM((L,), jnp.float32),
        ],
    )(data)
    return jnp.sum(partials[:, 0]) / B


def kernel(output, truths, iteration):
    return _yolo_loss(output, truths)

# --- scband reference (transcript-rebuilt; emitter-appended) ---
"""Pipeline reference for scband-yolo-loss-89266600280302 (READ-ONLY COPY).

The authoritative reference and input builder live on the scoring server;
editing this copy changes nothing except your own understanding.
"""

import jax, jax.numpy as jnp
import numpy as np

BOX_NUM = 2
CLASS_NUM = 20
COORD_RATE = 5.0
NOOBJ_RATE = 0.5


def _calc_ious(b1, b2):
    a1 = ((b1[:, 2] - b1[:, 0]) * (b1[:, 3] - b1[:, 1]))[:, None]
    a2 = ((b2[:, 2] - b2[:, 0]) * (b2[:, 3] - b2[:, 1]))[None, :]
    xmax = jnp.minimum(b1[:, 2][:, None], b2[:, 2][None, :])
    xmin = jnp.maximum(b1[:, 0][:, None], b2[:, 0][None, :])
    ymax = jnp.minimum(b1[:, 3][:, None], b2[:, 3][None, :])
    ymin = jnp.maximum(b1[:, 1][:, None], b2[:, 1][None, :])
    inter = jnp.clip(xmax - xmin, 0.0, None) * jnp.clip(ymax - ymin, 0.0, None)
    union = jnp.clip(a1 + a2 - inter, 1e-12, None)
    return inter / union


def _build_targets(output, truths):
    # Faithful port of the torch.no_grad() target-assignment block (non-differentiable).
    B, H, W, T = output.shape
    abn = 5 * BOX_NUM
    HW = H * W
    preds = output.reshape(B, HW, T)
    pred_tboxes = preds[:, :, :abn].reshape(B, HW, BOX_NUM, 5)
    pos = jnp.arange(HW)
    gx = (pos % W).astype(jnp.float32)
    gy = (pos // W).astype(jnp.float32)
    cx = (pred_tboxes[:, :, :, 0] + gx[None, :, None]) / float(W)
    cy = (pred_tboxes[:, :, :, 1] + gy[None, :, None]) / float(H)
    pw = pred_tboxes[:, :, :, 2]
    ph = pred_tboxes[:, :, :, 3]
    pred_boxes = jnp.stack([cx - pw / 2.0, cy - ph / 2.0, cx + pw / 2.0, cy + ph / 2.0], axis=-1)
    tb = truths
    tcx = (tb[:, :, 0] + tb[:, :, 2]) / 2.0
    tcy = (tb[:, :, 1] + tb[:, :, 3]) / 2.0
    tw = tb[:, :, 2] - tb[:, :, 0]
    th = tb[:, :, 3] - tb[:, :, 1]
    dx = tcx * W
    dy = tcy * H
    gxx = jnp.ceil(dx) - 1.0
    gyy = jnp.ceil(dy) - 1.0
    ddx = dx - gxx
    ddy = dy - gyy
    grid_pos = (gyy * W + gxx).astype(jnp.int32)
    cls_idx = tb[:, :, 4].astype(jnp.int32)

    def per_batch(pred_boxes_b, tboxes_b, gp_b, ddx_b, ddy_b, tw_b, th_b, cls_b):
        def step(carry, xs):
            mask, tr = carry
            tbox, p, ddxk, ddyk, twk, thk, clsk = xs
            ious = _calc_ious(tbox.reshape(1, 4), pred_boxes_b[p, :, 0:4])
            ind = jnp.argmax(ious[0])
            max_iou = ious[0, ind]
            valid = (jnp.sum(tbox) != 0) & (max_iou != 0)
            occupied = mask[p, abn]
            prev_iou = jnp.sum(tr[p, 4:abn:5])
            do_update = valid & (jnp.logical_not(occupied) | (prev_iou < max_iou))
            bi = 5 * ind
            vals5 = jnp.stack([ddxk, ddyk, twk, thk, max_iou])
            tr_row = jax.lax.dynamic_update_slice(jnp.zeros((T,), tr.dtype), vals5, (bi,))
            tr_row = tr_row.at[abn + clsk].set(1.0)
            mask_row = jax.lax.dynamic_update_slice(
                jnp.zeros((T,), jnp.bool_), jnp.ones((5,), jnp.bool_), (bi,)
            )
            mask_row = mask_row.at[abn:].set(True)
            tr = tr.at[p].set(jnp.where(do_update, tr_row, tr[p]))
            mask = mask.at[p].set(jnp.where(do_update, mask_row, mask[p]))
            return (mask, tr), None

        mask0 = jnp.zeros((HW, T), dtype=jnp.bool_)
        tr0 = jnp.zeros((HW, T), dtype=jnp.float32)
        (mask_b, tr_b), _ = jax.lax.scan(
            step, (mask0, tr0),
            (tboxes_b, gp_b, ddx_b, ddy_b, tw_b, th_b, cls_b),
        )
        return mask_b, tr_b

    mask, tr = jax.vmap(per_batch)(
        pred_boxes, tb[:, :, 0:4], grid_pos, ddx, ddy, tw, th, cls_idx
    )
    return mask, tr


def _loss(output, mask_np, tr_np):
    B, H, W, T = output.shape
    abn = 5 * BOX_NUM
    mask = jnp.asarray(mask_np, dtype=jnp.float32)
    tr = jnp.asarray(tr_np)
    preds = output.reshape(B, H * W, T)
    ptb = preds[:, :, :abn].reshape(-1, 5)
    ttb = tr[:, :, :abn].reshape(-1, 5)
    mtb = mask[:, :, :abn].reshape(-1, 5)
    pcl = preds[:, :, abn:].reshape(-1, CLASS_NUM)
    tcl = tr[:, :, abn:].reshape(-1, CLASS_NUM)
    mcl = mask[:, :, abn:].reshape(-1, CLASS_NUM)
    loss_center = COORD_RATE * jnp.sum(mtb[:, 0:2] * (ptb[:, 0:2] - ttb[:, 0:2]) ** 2)
    safe_sz = jnp.where(mtb[:, 2:4] > 0, ptb[:, 2:4], 1.0)
    loss_size = COORD_RATE * jnp.sum(mtb[:, 2:4] * (jnp.sqrt(safe_sz) - jnp.sqrt(ttb[:, 2:4])) ** 2)
    loss_conf_obj = jnp.sum(mtb[:, 4] * (ptb[:, 4] - ttb[:, 4]) ** 2)
    loss_conf_noobj = NOOBJ_RATE * jnp.sum((1.0 - mtb[:, 4]) * ptb[:, 4] ** 2)
    loss_class = jnp.sum(mcl * (pcl - tcl) ** 2)
    return (loss_center + loss_size + loss_conf_obj + loss_conf_noobj + loss_class) / B


def setup_inputs(seed: int = 0):
    key = jax.random.key(seed)
    B, H, W = 64, 7, 7
    target_num = 5 * BOX_NUM + CLASS_NUM
    n_obj = 16
    k1, k2, k3, k4, k5, k6 = jax.random.split(key, 6)
    output = jax.random.uniform(k1, (B, H, W, target_num), dtype=jnp.float32)
    x1 = jax.random.uniform(k2, (B, n_obj), minval=0.02, maxval=0.75, dtype=jnp.float32)
    y1 = jax.random.uniform(k3, (B, n_obj), minval=0.02, maxval=0.75, dtype=jnp.float32)
    w = jax.random.uniform(k4, (B, n_obj), minval=0.05, maxval=0.2, dtype=jnp.float32)
    h = jax.random.uniform(k5, (B, n_obj), minval=0.05, maxval=0.2, dtype=jnp.float32)
    cls = jax.random.randint(k6, (B, n_obj), 0, CLASS_NUM).astype(jnp.float32)
    truths = jnp.stack([x1, y1, x1 + w, y1 + h, cls], axis=-1)
    return {"output": output, "truths": truths, "iteration": 0}


def reference(output, truths, iteration):
    mask_np, tr_np = _build_targets(output, truths)
    return _loss(output, mask_np, tr_np)

if __name__ == "__main__":
    import jax
    _d = setup_inputs()
    print(jax.jit(kernel)(*tuple(_d.values())))

</pallas_src>

<mosaic_0001>
#map = affine_map<(d0, d1) -> (0)>
#map1 = affine_map<(d0, d1) -> (0, 0)>
module attributes {stable_mosaic.version = 14 : i64} {
  func.func @_yolo_loss_kernel(%arg0: i32, %arg1: i32, %arg2: memref<143360xf32, #tpu.memory_space<hbm>>, %arg3: memref<32x16xf32, #tpu.memory_space<hbm>>, %arg4: memref<4480xf32, #tpu.memory_space<vmem>>, %arg5: memref<16xf32, #tpu.memory_space<vmem>>) attributes {dimension_semantics = [#tpu.dimension_semantics<core_parallel>, #tpu.dimension_semantics<subcore_parallel>], iteration_bounds = array<i64: 2, 16>, scalar_prefetch = 0 : i64, scratch_operands = 2 : i64, tpu.core_type = #tpu.core_type<sc_vector_subcore>, window_params = [{transform_indices = #map}, {transform_indices = #map1}]} {
    %mul3A = arith.constant 2 : i32
    %mul3A_0 = arith.muli %arg1, %mul3A : i32
    %add3A = arith.addi %mul3A_0, %arg0 : i32
    %mul3A_1 = arith.constant 2 : i32
    %mul3A_2 = arith.muli %add3A, %mul3A_1 : i32
    %mul3A_3 = arith.constant 2240 : i32
    %mul3A_4 = arith.muli %mul3A_2, %mul3A_3 : i32
    "tpu.region"() ({
      %run_scoped3A = tpu.sem_alloc : memref<!tpu.dma_semaphore, #tpu.memory_space<semaphore_mem>>
      %dma_start3A = tpu.memref_slice %arg2[%mul3A_4] : memref<143360xf32, #tpu.memory_space<hbm>> -> memref<4480xf32, #tpu.memory_space<hbm>>
      %dma_start3A_1614 = tpu.memref_slice %arg2[%mul3A_4] : memref<143360xf32, #tpu.memory_space<hbm>> -> memref<4480xf32, #tpu.memory_space<hbm>>
      tpu.enqueue_dma source(%dma_start3A_1614 : memref<4480xf32, #tpu.memory_space<hbm>>) target(%arg4 : memref<4480xf32, #tpu.memory_space<vmem>>) target_semaphore(%run_scoped3A : memref<!tpu.dma_semaphore, #tpu.memory_space<semaphore_mem>>)
      %dma_wait3A = tpu.memref_slice %arg2[%mul3A_4] : memref<143360xf32, #tpu.memory_space<hbm>> -> memref<4480xf32, #tpu.memory_space<hbm>>
      %dma_wait3A_1615 = tpu.memref_slice %arg2[%mul3A_4] : memref<143360xf32, #tpu.memory_space<hbm>> -> memref<4480xf32, #tpu.memory_space<hbm>>
      tpu.wait_dma2 semaphore(%run_scoped3A : memref<!tpu.dma_semaphore, #tpu.memory_space<semaphore_mem>>) src(%dma_wait3A_1615 : memref<4480xf32, #tpu.memory_space<hbm>>) dst(%arg4 : memref<4480xf32, #tpu.memory_space<vmem>>)
      tpu.yield
    }) : () -> ()
    %broadcast_in_dim3A = arith.constant 0.000000e+00 : f32
    %broadcast_in_dim3A_5 = vector.broadcast %broadcast_in_dim3A : f32 to vector<16xf32>
    %get3A = arith.constant 1920 : index
    %get3A_6 = tpu.vector_load %arg4[%get3A] {strides = array<i32>} : memref<4480xf32, #tpu.memory_space<vmem>>, vector<16xf32>,
    %get3A_7 = arith.constant 1984 : index
    %get3A_8 = tpu.vector_load %arg4[%get3A_7] {strides = array<i32>} : memref<4480xf32, #tpu.memory_space<vmem>>, vector<16xf32>,
    %get3A_9 = arith.constant 2048 : index
    %get3A_10 = tpu.vector_load %arg4[%get3A_9] {strides = array<i32>} : memref<4480xf32, #tpu.memory_space<vmem>>, vector<16xf32>,
    %get3A_11 = arith.constant 2112 : index
    %get3A_12 = tpu.vector_load %arg4[%get3A_11] {strides = array<i32>} : memref<4480xf32, #tpu.memory_space<vmem>>, vector<16xf32>,
    %get3A_13 = arith.constant 2176 : index
    %get3A_14 = tpu.vector_load %arg4[%get3A_13] {strides = array<i32>} : memref<4480xf32, #tpu.memory_space<vmem>>, vector<16xf32>,
    %add3A_15 = arith.addf %get3A_6, %get3A_10 : vector<16xf32>
    %div3A = arith.constant 2.000000e+00 : f32
    %div3A_16 = vector.broadcast %div3A : f32 to vector<16xf32>
    %div3A_17 = arith.divf %add3A_15, %div3A_16 : vector<16xf32>
    %add3A_18 = arith.addf %get3A_8, %get3A_12 : vector<16xf32>
    %div3A_19 = arith.constant 2.000000e+00 : f32
    %div3A_20 = vector.broadcast %div3A_19 : f32 to vector<16xf32>
    %div3A_21 = arith.divf %add3A_18, %div3A_20 : vector<16xf32>
    %sub3A = arith.subf %get3A_10, %get3A_6 : vector<16xf32>
    %sub3A_22 = arith.subf %get3A_12, %get3A_8 : vector<16xf32>
    %mul3A_23 = arith.constant 7.000000e+00 : f32
    %mul3A_24 = vector.broadcast %mul3A_23 : f32 to vector<16xf32>
    %mul3A_25 = arith.mulf %div3A_17, %mul3A_24 : vector<16xf32>
    %mul3A_26 = arith.constant 7.000000e+00 : f32
    %mul3A_27 = vector.broadcast %mul3A_26 : f32 to vector<16xf32>
    %mul3A_28 = arith.mulf %div3A_21, %mul3A_27 : vector<16xf32>
    %convert_element_type3A = arith.fptosi %mul3A_25 : vector<16xf32> to vector<16xi32>
    %convert_element_type3A_29 = arith.fptosi %mul3A_28 : vector<16xf32> to vector<16xi32>
    %convert_element_type3A_30 = arith.sitofp %convert_element_type3A : vector<16xi32> to vector<16xf32>
    %convert_element_type3A_31 = arith.sitofp %convert_element_type3A_29 : vector<16xi32> to vector<16xf32>
    %eq3A = arith.cmpf oeq, %convert_element_type3A_30, %mul3A_25 : vector<16xf32>
    %sub3A_32 = arith.constant 1.000000e+00 : f32
    %sub3A_33 = vector.broadcast %sub3A_32 : f32 to vector<16xf32>
    %sub3A_34 = arith.subf %convert_element_type3A_30, %sub3A_33 : vector<16xf32>
    %select_n3A = arith.select %eq3A, %sub3A_34, %convert_element_type3A_30 : vector<16xi1>, vector<16xf32>
    %eq3A_35 = arith.cmpf oeq, %convert_element_type3A_31, %mul3A_28 : vector<16xf32>
    %sub3A_36 = arith.constant 1.000000e+00 : f32
    %sub3A_37 = vector.broadcast %sub3A_36 : f32 to vector<16xf32>
    %sub3A_38 = arith.subf %convert_element_type3A_31, %sub3A_37 : vector<16xf32>
    %select_n3A_39 = arith.select %eq3A_35, %sub3A_38, %convert_element_type3A_31 : vector<16xi1>, vector<16xf32>
    %sub3A_40 = arith.subf %mul3A_25, %select_n3A : vector<16xf32>
    %sub3A_41 = arith.subf %mul3A_28, %select_n3A_39 : vector<16xf32>
    %mul3A_42 = arith.constant 7.000000e+00 : f32
    %mul3A_43 = vector.broadcast %mul3A_42 : f32 to vector<16xf32>
    %mul3A_44 = arith.mulf %select_n3A_39, %mul3A_43 : vector<16xf32>
    %add3A_45 = arith.addf %mul3A_44, %select_n3A : vector<16xf32>
    %convert_element_type3A_46 = arith.fptosi %add3A_45 : vector<16xf32> to vector<16xi32>
    %jit3A = arith.constant 0 : i32
    %jit3A_47 = arith.constant 48 : i32
    %max3A = vector.broadcast %jit3A : i32 to vector<16xi32>
    %max3A_48 = arith.maxsi %max3A, %convert_element_type3A_46 : vector<16xi32>
    %min3A = vector.broadcast %jit3A_47 : i32 to vector<16xi32>
    %min3A_49 = arith.minsi %min3A, %max3A_48 : vector<16xi32>
    %convert_element_type3A_50 = arith.fptosi %get3A_14 : vector<16xf32> to vector<16xi32>
    %add3A_51 = arith.constant 0 : i32
    %add3A_52 = vector.broadcast %add3A_51 : i32 to vector<16xi32>
    %add3A_53 = arith.addi %add3A_52, %min3A_49 : vector<16xi32>
    %gather3A = tpu.vector_load_idx %arg4[%add3A_53] : memref<4480xf32, #tpu.memory_space<vmem>>[vector<16xi32>], vector<16xf32>,
    %add3A_54 = arith.constant 64 : i32
    %add3A_55 = vector.broadcast %add3A_54 : i32 to vector<16xi32>
    %add3A_56 = arith.addi %add3A_55, %min3A_49 : vector<16xi32>
    %gather3A_57 = tpu.vector_load_idx %arg4[%add3A_56] : memref<4480xf32, #tpu.memory_space<vmem>>[vector<16xi32>], vector<16xf32>,
    %add3A_58 = arith.constant 128 : i32
    %add3A_59 = vector.broadcast %add3A_58 : i32 to vector<16xi32>
    %add3A_60 = arith.addi %add3A_59, %min3A_49 : vector<16xi32>
    %gather3A_61 = tpu.vector_load_idx %arg4[%add3A_60] : memref<4480xf32, #tpu.memory_space<vmem>>[vector<16xi32>], vector<16xf32>,
    %add3A_62 = arith.constant 192 : i32
    %add3A_63 = vector.broadcast %add3A_62 : i32 to vector<16xi32>
    %add3A_64 = arith.addi %add3A_63, %min3A_49 : vector<16xi32>
    %gather3A_65 = tpu.vector_load_idx %arg4[%add3A_64] : memref<4480xf32, #tpu.memory_space<vmem>>[vector<16xi32>], vector<16xf32>,
    %add3A_66 = arith.constant 256 : i32
    %add3A_67 = vector.broadcast %add3A_66 : i32 to vector<16xi32>
    %add3A_68 = arith.addi %add3A_67, %min3A_49 : vector<16xi32>
    %gather3A_69 = tpu.vector_load_idx %arg4[%add3A_68] : memref<4480xf32, #tpu.memory_space<vmem>>[vector<16xi32>], vector<16xf32>,
    %add3A_70 = arith.constant 320 : i32
    %add3A_71 = vector.broadcast %add3A_70 : i32 to vector<16xi32>
    %add3A_72 = arith.addi %add3A_71, %min3A_49 : vector<16xi32>
    %gather3A_73 = tpu.vector_load_idx %arg4[%add3A_72] : memref<4480xf32, #tpu.memory_space<vmem>>[vector<16xi32>], vector<16xf32>,
    %add3A_74 = arith.constant 384 : i32
    %add3A_75 = vector.broadcast %add3A_74 : i32 to vector<16xi32>
    %add3A_76 = arith.addi %add3A_75, %min3A_49 : vector<16xi32>
    %gather3A_77 = tpu.vector_load_idx %arg4[%add3A_76] : memref<4480xf32, #tpu.memory_space<vmem>>[vector<16xi32>], vector<16xf32>,
    %add3A_78 = arith.constant 448 : i32
    %add3A_79 = vector.broadcast %add3A_78 : i32 to vector<16xi32>
    %add3A_80 = arith.addi %add3A_79, %min3A_49 : vector<16xi32>
    %gather3A_81 = tpu.vector_load_idx %arg4[%add3A_80] : memref<4480xf32, #tpu.memory_space<vmem>>[vector<16xi32>], vector<16xf32>,
    %add3A_82 = arith.constant 512 : i32
    %add3A_83 = vector.broadcast %add3A_82 : i32 to vector<16xi32>
    %add3A_84 = arith.addi %add3A_83, %min3A_49 : vector<16xi32>
    %gather3A_85 = tpu.vector_load_idx %arg4[%add3A_84] : memref<4480xf32, #tpu.memory_space<vmem>>[vector<16xi32>], vector<16xf32>,
    %add3A_86 = arith.constant 576 : i32
    %add3A_87 = vector.broadcast %add3A_86 : i32 to vector<16xi32>
    %add3A_88 = arith.addi %add3A_87, %min3A_49 : vector<16xi32>
    %gather3A_89 = tpu.vector_load_idx %arg4[%add3A_88] : memref<4480xf32, #tpu.memory_space<vmem>>[vector<16xi32>], vector<16xf32>,
    %jit3A_90 = arith.constant 7 : i32
    %div3A_91 = vector.broadcast %jit3A_90 : i32 to vector<16xi32>
    %div3A_92 = arith.divsi %min3A_49, %div3A_91 : vector<16xi32>
    %sign3A = arith.constant 0 : i32
    %sign3A_93 = vector.broadcast %sign3A : i32 to vector<16xi32>
    %sign3A_94 = arith.cmpi sgt, %min3A_49, %sign3A_93 : vector<16xi32>
    %sign3A_95 = arith.extui %sign3A_94 : vector<16xi1> to vector<16xi32>
    %sign3A_96 = arith.constant 0 : i32
    %sign3A_97 = vector.broadcast %sign3A_96 : i32 to vector<16xi32>
    %sign3A_98 = arith.cmpi slt, %min3A_49, %sign3A_97 : vector<16xi32>
    %sign3A_99 = arith.extui %sign3A_98 : vector<16xi1> to vector<16xi32>
    %sign3A_100 = arith.subi %sign3A_95, %sign3A_99 : vector<16xi32>
    %sign3A_101 = arith.constant 0 : i32
    %sign3A_102 = arith.cmpi sgt, %jit3A_90, %sign3A_101 : i32
    %sign3A_103 = arith.extui %sign3A_102 : i1 to i32
    %sign3A_104 = arith.constant 0 : i32
    %sign3A_105 = arith.cmpi slt, %jit3A_90, %sign3A_104 : i32
    %sign3A_106 = arith.extui %sign3A_105 : i1 to i32
    %sign3A_107 = arith.subi %sign3A_103, %sign3A_106 : i32
    %ne3A = vector.broadcast %sign3A_107 : i32 to vector<16xi32>
    %ne3A_108 = arith.cmpi ne, %sign3A_100, %ne3A : vector<16xi32>
    %rem3A = vector.broadcast %jit3A_90 : i32 to vector<16xi32>
    %rem3A_109 = arith.remsi %min3A_49, %rem3A : vector<16xi32>
    %ne3A_110 = arith.constant 0 : i32
    %ne3A_111 = vector.broadcast %ne3A_110 : i32 to vector<16xi32>
    %ne3A_112 = arith.cmpi ne, %rem3A_109, %ne3A_111 : vector<16xi32>
    %and3A = arith.andi %ne3A_108, %ne3A_112 : vector<16xi1>
    %sub3A_113 = arith.constant 1 : i32
    %sub3A_114 = vector.broadcast %sub3A_113 : i32 to vector<16xi32>
    %sub3A_115 = arith.subi %div3A_92, %sub3A_114 : vector<16xi32>
    %select_n3A_116 = arith.select %and3A, %sub3A_115, %div3A_92 : vector<16xi1>, vector<16xi32>
    %mul3A_117 = arith.constant 7 : i32
    %mul3A_118 = vector.broadcast %mul3A_117 : i32 to vector<16xi32>
    %mul3A_119 = arith.muli %select_n3A_116, %mul3A_118 : vector<16xi32>
    %sub3A_120 = arith.subi %min3A_49, %mul3A_119 : vector<16xi32>
    %convert_element_type3A_121 = arith.sitofp %select_n3A_116 : vector<16xi32> to vector<16xf32>
    %convert_element_type3A_122 = arith.sitofp %sub3A_120 : vector<16xi32> to vector<16xf32>
    %add3A_123 = arith.addf %gather3A, %convert_element_type3A_122 : vector<16xf32>
    %div3A_124 = arith.constant 7.000000e+00 : f32
    %div3A_125 = vector.broadcast %div3A_124 : f32 to vector<16xf32>
    %div3A_126 = arith.divf %add3A_123, %div3A_125 : vector<16xf32>
    %add3A_127 = arith.addf %gather3A_57, %convert_element_type3A_121 : vector<16xf32>
    %div3A_128 = arith.constant 7.000000e+00 : f32
    %div3A_129 = vector.broadcast %div3A_128 : f32 to vector<16xf32>
    %div3A_130 = arith.divf %add3A_127, %div3A_129 : vector<16xf32>
    %div3A_131 = arith.constant 2.000000e+00 : f32
    %div3A_132 = vector.broadcast %div3A_131 : f32 to vector<16xf32>
    %div3A_133 = arith.divf %gather3A_61, %div3A_132 : vector<16xf32>
    %sub3A_134 = arith.subf %div3A_126, %div3A_133 : vector<16xf32>
    %div3A_135 = arith.constant 2.000000e+00 : f32
    %div3A_136 = vector.broadcast %div3A_135 : f32 to vector<16xf32>
    %div3A_137 = arith.divf %gather3A_65, %div3A_136 : vector<16xf32>
    %sub3A_138 = arith.subf %div3A_130, %div3A_137 : vector<16xf32>
    %div3A_139 = arith.constant 2.000000e+00 : f32
    %div3A_140 = vector.broadcast %div3A_139 : f32 to vector<16xf32>
    %div3A_141 = arith.divf %gather3A_61, %div3A_140 : vector<16xf32>
    %add3A_142 = arith.addf %div3A_126, %div3A_141 : vector<16xf32>
    %div3A_143 = arith.constant 2.000000e+00 : f32
    %div3A_144 = vector.broadcast %div3A_143 : f32 to vector<16xf32>
    %div3A_145 = arith.divf %gather3A_65, %div3A_144 : vector<16xf32>
    %add3A_146 = arith.addf %div3A_130, %div3A_145 : vector<16xf32>
    %sub3A_147 = arith.subf %get3A_10, %get3A_6 : vector<16xf32>
    %sub3A_148 = arith.subf %get3A_12, %get3A_8 : vector<16xf32>
    %mul3A_149 = arith.mulf %sub3A_147, %sub3A_148 : vector<16xf32>
    %sub3A_150 = arith.subf %add3A_142, %sub3A_134 : vector<16xf32>
    %sub3A_151 = arith.subf %add3A_146, %sub3A_138 : vector<16xf32>
    %mul3A_152 = arith.mulf %sub3A_150, %sub3A_151 : vector<16xf32>
    %min3A_153 = arith.minimumf %get3A_10, %add3A_142 : vector<16xf32>
    %max3A_154 = arith.maximumf %get3A_6, %sub3A_134 : vector<16xf32>
    %sub3A_155 = arith.subf %min3A_153, %max3A_154 : vector<16xf32>
    %max3A_156 = arith.constant 0.000000e+00 : f32
    %max3A_157 = vector.broadcast %max3A_156 : f32 to vector<16xf32>
    %max3A_158 = arith.maximumf %sub3A_155, %max3A_157 : vector<16xf32>
    %min3A_159 = arith.minimumf %get3A_12, %add3A_146 : vector<16xf32>
    %max3A_160 = arith.maximumf %get3A_8, %sub3A_138 : vector<16xf32>
    %sub3A_161 = arith.subf %min3A_159, %max3A_160 : vector<16xf32>
    %max3A_162 = arith.constant 0.000000e+00 : f32
    %max3A_163 = vector.broadcast %max3A_162 : f32 to vector<16xf32>
    %max3A_164 = arith.maximumf %sub3A_161, %max3A_163 : vector<16xf32>
    %mul3A_165 = arith.mulf %max3A_158, %max3A_164 : vector<16xf32>
    %add3A_166 = arith.addf %mul3A_149, %mul3A_152 : vector<16xf32>
    %sub3A_167 = arith.subf %add3A_166, %mul3A_165 : vector<16xf32>
    %max3A_168 = arith.constant 9.99999996E-13 : f32
    %max3A_169 = vector.broadcast %max3A_168 : f32 to vector<16xf32>
    %max3A_170 = arith.maximumf %sub3A_167, %max3A_169 : vector<16xf32>
    %div3A_171 = arith.divf %mul3A_165, %max3A_170 : vector<16xf32>
    %add3A_172 = arith.addf %gather3A_73, %convert_element_type3A_122 : vector<16xf32>
    %div3A_173 = arith.constant 7.000000e+00 : f32
    %div3A_174 = vector.broadcast %div3A_173 : f32 to vector<16xf32>
    %div3A_175 = arith.divf %add3A_172, %div3A_174 : vector<16xf32>
    %add3A_176 = arith.addf %gather3A_77, %convert_element_type3A_121 : vector<16xf32>
    %div3A_177 = arith.constant 7.000000e+00 : f32
    %div3A_178 = vector.broadcast %div3A_177 : f32 to vector<16xf32>
    %div3A_179 = arith.divf %add3A_176, %div3A_178 : vector<16xf32>
    %div3A_180 = arith.constant 2.000000e+00 : f32
    %div3A_181 = vector.broadcast %div3A_180 : f32 to vector<16xf32>
    %div3A_182 = arith.divf %gather3A_81, %div3A_181 : vector<16xf32>
    %sub3A_183 = arith.subf %div3A_175, %div3A_182 : vector<16xf32>
    %div3A_184 = arith.constant 2.000000e+00 : f32
    %div3A_185 = vector.broadcast %div3A_184 : f32 to vector<16xf32>
    %div3A_186 = arith.divf %gather3A_85, %div3A_185 : vector<16xf32>
    %sub3A_187 = arith.subf %div3A_179, %div3A_186 : vector<16xf32>
    %div3A_188 = arith.constant 2.000000e+00 : f32
    %div3A_189 = vector.broadcast %div3A_188 : f32 to vector<16xf32>
    %div3A_190 = arith.divf %gather3A_81, %div3A_189 : vector<16xf32>
    %add3A_191 = arith.addf %div3A_175, %div3A_190 : vector<16xf32>
    %div3A_192 = arith.constant 2.000000e+00 : f32
    %div3A_193 = vector.broadcast %div3A_192 : f32 to vector<16xf32>
    %div3A_194 = arith.divf %gather3A_85, %div3A_193 : vector<16xf32>
    %add3A_195 = arith.addf %div3A_179, %div3A_194 : vector<16xf32>
    %sub3A_196 = arith.subf %get3A_10, %get3A_6 : vector<16xf32>
    %sub3A_197 = arith.subf %get3A_12, %get3A_8 : vector<16xf32>
    %mul3A_198 = arith.mulf %sub3A_196, %sub3A_197 : vector<16xf32>
    %sub3A_199 = arith.subf %add3A_191, %sub3A_183 : vector<16xf32>
    %sub3A_200 = arith.subf %add3A_195, %sub3A_187 : vector<16xf32>
    %mul3A_201 = arith.mulf %sub3A_199, %sub3A_200 : vector<16xf32>
    %min3A_202 = arith.minimumf %get3A_10, %add3A_191 : vector<16xf32>
    %max3A_203 = arith.maximumf %get3A_6, %sub3A_183 : vector<16xf32>
    %sub3A_204 = arith.subf %min3A_202, %max3A_203 : vector<16xf32>
    %max3A_205 = arith.constant 0.000000e+00 : f32
    %max3A_206 = vector.broadcast %max3A_205 : f32 to vector<16xf32>
    %max3A_207 = arith.maximumf %sub3A_204, %max3A_206 : vector<16xf32>
    %min3A_208 = arith.minimumf %get3A_12, %add3A_195 : vector<16xf32>
    %max3A_209 = arith.maximumf %get3A_8, %sub3A_187 : vector<16xf32>
    %sub3A_210 = arith.subf %min3A_208, %max3A_209 : vector<16xf32>
    %max3A_211 = arith.constant 0.000000e+00 : f32
    %max3A_212 = vector.broadcast %max3A_211 : f32 to vector<16xf32>
    %max3A_213 = arith.maximumf %sub3A_210, %max3A_212 : vector<16xf32>
    %mul3A_214 = arith.mulf %max3A_207, %max3A_213 : vector<16xf32>
    %add3A_215 = arith.addf %mul3A_198, %mul3A_201 : vector<16xf32>
    %sub3A_216 = arith.subf %add3A_215, %mul3A_214 : vector<16xf32>
    %max3A_217 = arith.constant 9.99999996E-13 : f32
    %max3A_218 = vector.broadcast %max3A_217 : f32 to vector<16xf32>
    %max3A_219 = arith.maximumf %sub3A_216, %max3A_218 : vector<16xf32>
    %div3A_220 = arith.divf %mul3A_214, %max3A_219 : vector<16xf32>
    %gt3A = arith.cmpf ogt, %div3A_220, %div3A_171 : vector<16xf32>
    %max3A_221 = arith.maximumf %div3A_171, %div3A_220 : vector<16xf32>
    %add3A_222 = arith.addf %get3A_6, %get3A_8 : vector<16xf32>
    %add3A_223 = arith.addf %add3A_222, %get3A_10 : vector<16xf32>
    %add3A_224 = arith.addf %add3A_223, %get3A_12 : vector<16xf32>
    %ne3A_225 = arith.constant 0.000000e+00 : f32
    %ne3A_226 = vector.broadcast %ne3A_225 : f32 to vector<16xf32>
    %ne3A_227 = arith.cmpf one, %add3A_224, %ne3A_226 : vector<16xf32>
    %ne3A_228 = arith.constant 0.000000e+00 : f32
    %ne3A_229 = vector.broadcast %ne3A_228 : f32 to vector<16xf32>
    %ne3A_230 = arith.cmpf one, %max3A_221, %ne3A_229 : vector<16xf32>
    %and3A_231 = arith.andi %ne3A_227, %ne3A_230 : vector<16xi1>
    %jit3A_232 = arith.constant -1.000000e+00 : f32
    %broadcast_in_dim3A_233 = vector.broadcast %jit3A_232 : f32 to vector<16xf32>
    %select_n3A_234 = arith.select %and3A_231, %max3A_221, %broadcast_in_dim3A_233 : vector<16xi1>, vector<16xf32>
    %convert_element_type3A_235 = arith.sitofp %convert_element_type3A_46 : vector<16xi32> to vector<16xf32>
    %iota3A = tpu.iota {dimensions = array<i32: 0>} : vector<16xi32>
    %broadcast_in_dim3A_236 = arith.constant false
    %broadcast_in_dim3A_237 = vector.broadcast %broadcast_in_dim3A_236 : i1 to vector<16xi1>
    %broadcast_in_dim3A_238 = arith.constant 0 : i32
    %broadcast_in_dim3A_239 = vector.broadcast %broadcast_in_dim3A_238 : i32 to vector<16xi32>
    %broadcast_in_dim3A_240 = vector.shape_cast %broadcast_in_dim3A_239 : vector<16xi32> to vector<16x1xi32>
    %gather3A_241 = vector.shape_cast %broadcast_in_dim3A_240 : vector<16x1xi32> to vector<16xi32>
    %gather3A_242 = tpu.dynamic_gather %convert_element_type3A_235[%gather3A_241] in [0] : vector<16xf32>, vector<16xi32> -> vector<16xf32>
    %broadcast_in_dim3A_243 = vector.shape_cast %broadcast_in_dim3A_239 : vector<16xi32> to vector<16x1xi32>
    %gather3A_244 = vector.shape_cast %broadcast_in_dim3A_243 : vector<16x1xi32> to vector<16xi32>
    %gather3A_245 = tpu.dynamic_gather %select_n3A_234[%gather3A_244] in [0] : vector<16xf32>, vector<16xi32> -> vector<16xf32>
    %eq3A_246 = arith.cmpf oeq, %gather3A_242, %convert_element_type3A_235 : vector<16xf32>
    %gt3A_247 = arith.cmpf ogt, %gather3A_245, %select_n3A_234 : vector<16xf32>
    %eq3A_248 = arith.cmpf oeq, %gather3A_245, %select_n3A_234 : vector<16xf32>
    %lt3A = arith.cmpi slt, %broadcast_in_dim3A_239, %iota3A : vector<16xi32>
    %and3A_249 = arith.andi %eq3A_248, %lt3A : vector<16xi1>
    %or3A = arith.ori %gt3A_247, %and3A_249 : vector<16xi1>
    %and3A_250 = arith.andi %eq3A_246, %or3A : vector<16xi1>
    %or3A_251 = arith.ori %broadcast_in_dim3A_237, %and3A_250 : vector<16xi1>
    %broadcast_in_dim3A_252 = arith.constant 1 : i32
    %broadcast_in_dim3A_253 = vector.broadcast %broadcast_in_dim3A_252 : i32 to vector<16xi32>
    %broadcast_in_dim3A_254 = vector.shape_cast %broadcast_in_dim3A_253 : vector<16xi32> to vector<16x1xi32>
    %gather3A_255 = vector.shape_cast %broadcast_in_dim3A_254 : vector<16x1xi32> to vector<16xi32>
    %gather3A_256 = tpu.dynamic_gather %convert_element_type3A_235[%gather3A_255] in [0] : vector<16xf32>, vector<16xi32> -> vector<16xf32>
    %broadcast_in_dim3A_257 = vector.shape_cast %broadcast_in_dim3A_253 : vector<16xi32> to vector<16x1xi32>
    %gather3A_258 = vector.shape_cast %broadcast_in_dim3A_257 : vector<16x1xi32> to vector<16xi32>
    %gather3A_259 = tpu.dynamic_gather %select_n3A_234[%gather3A_258] in [0] : vector<16xf32>, vector<16xi32> -> vector<16xf32>
    %eq3A_260 = arith.cmpf oeq, %gather3A_256, %convert_element_type3A_235 : vector<16xf32>
    %gt3A_261 = arith.cmpf ogt, %gather3A_259, %select_n3A_234 : vector<16xf32>
    %eq3A_262 = arith.cmpf oeq, %gather3A_259, %select_n3A_234 : vector<16xf32>
    %lt3A_263 = arith.cmpi slt, %broadcast_in_dim3A_253, %iota3A : vector<16xi32>
    %and3A_264 = arith.andi %eq3A_262, %lt3A_263 : vector<16xi1>
    %or3A_265 = arith.ori %gt3A_261, %and3A_264 : vector<16xi1>
    %and3A_266 = arith.andi %eq3A_260, %or3A_265 : vector<16xi1>
    %or3A_267 = arith.ori %or3A_251, %and3A_266 : vector<16xi1>
    %broadcast_in_dim3A_268 = arith.constant 2 : i32
    %broadcast_in_dim3A_269 = vector.broadcast %broadcast_in_dim3A_268 : i32 to vector<16xi32>
    %broadcast_in_dim3A_270 = vector.shape_cast %broadcast_in_dim3A_269 : vector<16xi32> to vector<16x1xi32>
    %gather3A_271 = vector.shape_cast %broadcast_in_dim3A_270 : vector<16x1xi32> to vector<16xi32>
    %gather3A_272 = tpu.dynamic_gather %convert_element_type3A_235[%gather3A_271] in [0] : vector<16xf32>, vector<16xi32> -> vector<16xf32>
    %broadcast_in_dim3A_273 = vector.shape_cast %broadcast_in_dim3A_269 : vector<16xi32> to vector<16x1xi32>
    %gather3A_274 = vector.shape_cast %broadcast_in_dim3A_273 : vector<16x1xi32> to vector<16xi32>
    %gather3A_275 = tpu.dynamic_gather %select_n3A_234[%gather3A_274] in [0] : vector<16xf32>, vector<16xi32> -> vector<16xf32>
    %eq3A_276 = arith.cmpf oeq, %gather3A_272, %convert_element_type3A_235 : vector<16xf32>
    %gt3A_277 = arith.cmpf ogt, %gather3A_275, %select_n3A_234 : vector<16xf32>
    %eq3A_278 = arith.cmpf oeq, %gather3A_275, %select_n3A_234 : vector<16xf32>
    %lt3A_279 = arith.cmpi slt, %broadcast_in_dim3A_269, %iota3A : vector<16xi32>
    %and3A_280 = arith.andi %eq3A_278, %lt3A_279 : vector<16xi1>
    %or3A_281 = arith.ori %gt3A_277, %and3A_280 : vector<16xi1>
    %and3A_282 = arith.andi %eq3A_276, %or3A_281 : vector<16xi1>
    %or3A_283 = arith.ori %or3A_267, %and3A_282 : vector<16xi1>
    %broadcast_in_dim3A_284 = arith.constant 3 : i32
    %broadcast_in_dim3A_285 = vector.broadcast %broadcast_in_dim3A_284 : i32 to vector<16xi32>
    %broadcast_in_dim3A_286 = vector.shape_cast %broadcast_in_dim3A_285 : vector<16xi32> to vector<16x1xi32>
    %gather3A_287 = vector.shape_cast %broadcast_in_dim3A_286 : vector<16x1xi32> to vector<16xi32>
    %gather3A_288 = tpu.dynamic_gather %convert_element_type3A_235[%gather3A_287] in [0] : vector<16xf32>, vector<16xi32> -> vector<16xf32>
    %broadcast_in_dim3A_289 = vector.shape_cast %broadcast_in_dim3A_285 : vector<16xi32> to vector<16x1xi32>
    %gather3A_290 = vector.shape_cast %broadcast_in_dim3A_289 : vector<16x1xi32> to vector<16xi32>
    %gather3A_291 = tpu.dynamic_gather %select_n3A_234[%gather3A_290] in [0] : vector<16xf32>, vector<16xi32> -> vector<16xf32>
    %eq3A_292 = arith.cmpf oeq, %gather3A_288, %convert_element_type3A_235 : vector<16xf32>
    %gt3A_293 = arith.cmpf ogt, %gather3A_291, %select_n3A_234 : vector<16xf32>
    %eq3A_294 = arith.cmpf oeq, %gather3A_291, %select_n3A_234 : vector<16xf32>
    %lt3A_295 = arith.cmpi slt, %broadcast_in_dim3A_285, %iota3A : vector<16xi32>
    %and3A_296 = arith.andi %eq3A_294, %lt3A_295 : vector<16xi1>
    %or3A_297 = arith.ori %gt3A_293, %and3A_296 : vector<16xi1>
    %and3A_298 = arith.andi %eq3A_292, %or3A_297 : vector<16xi1>
    %or3A_299 = arith.ori %or3A_283, %and3A_298 : vector<16xi1>
    %broadcast_in_dim3A_300 = arith.constant 4 : i32
    %broadcast_in_dim3A_301 = vector.broadcast %broadcast_in_dim3A_300 : i32 to vector<16xi32>
    %broadcast_in_dim3A_302 = vector.shape_cast %broadcast_in_dim3A_301 : vector<16xi32> to vector<16x1xi32>
    %gather3A_303 = vector.shape_cast %broadcast_in_dim3A_302 : vector<16x1xi32> to vector<16xi32>
    %gather3A_304 = tpu.dynamic_gather %convert_element_type3A_235[%gather3A_303] in [0] : vector<16xf32>, vector<16xi32> -> vector<16xf32>
    %broadcast_in_dim3A_305 = vector.shape_cast %broadcast_in_dim3A_301 : vector<16xi32> to vector<16x1xi32>
    %gather3A_306 = vector.shape_cast %broadcast_in_dim3A_305 : vector<16x1xi32> to vector<16xi32>
    %gather3A_307 = tpu.dynamic_gather %select_n3A_234[%gather3A_306] in [0] : vector<16xf32>, vector<16xi32> -> vector<16xf32>
    %eq3A_308 = arith.cmpf oeq, %gather3A_304, %convert_element_type3A_235 : vector<16xf32>
    %gt3A_309 = arith.cmpf ogt, %gather3A_307, %select_n3A_234 : vector<16xf32>
    %eq3A_310 = arith.cmpf oeq, %gather3A_307, %select_n3A_234 : vector<16xf32>
    %lt3A_311 = arith.cmpi slt, %broadcast_in_dim3A_301, %iota3A : vector<16xi32>
    %and3A_312 = arith.andi %eq3A_310, %lt3A_311 : vector<16xi1>
    %or3A_313 = arith.ori %gt3A_309, %and3A_312 : vector<16xi1>
    %and3A_314 = arith.andi %eq3A_308, %or3A_313 : vector<16xi1>
    %or3A_315 = arith.ori %or3A_299, %and3A_314 : vector<16xi1>
    %broadcast_in_dim3A_316 = arith.constant 5 : i32
    %broadcast_in_dim3A_317 = vector.broadcast %broadcast_in_dim3A_316 : i32 to vector<16xi32>
    %broadcast_in_dim3A_318 = vector.shape_cast %broadcast_in_dim3A_317 : vector<16xi32> to vector<16x1xi32>
    %gather3A_319 = vector.shape_cast %broadcast_in_dim3A_318 : vector<16x1xi32> to vector<16xi32>
    %gather3A_320 = tpu.dynamic_gather %convert_element_type3A_235[%gather3A_319] in [0] : vector<16xf32>, vector<16xi32> -> vector<16xf32>
    %broadcast_in_dim3A_321 = vector.shape_cast %broadcast_in_dim3A_317 : vector<16xi32> to vector<16x1xi32>
    %gather3A_322 = vector.shape_cast %broadcast_in_dim3A_321 : vector<16x1xi32> to vector<16xi32>
    %gather3A_323 = tpu.dynamic_gather %select_n3A_234[%gather3A_322] in [0] : vector<16xf32>, vector<16xi32> -> vector<16xf32>
    %eq3A_324 = arith.cmpf oeq, %gather3A_320, %convert_element_type3A_235 : vector<16xf32>
    %gt3A_325 = arith.cmpf ogt, %gather3A_323, %select_n3A_234 : vector<16xf32>
    %eq3A_326 = arith.cmpf oeq, %gather3A_323, %select_n3A_234 : vector<16xf32>
    %lt3A_327 = arith.cmpi slt, %broadcast_in_dim3A_317, %iota3A : vector<16xi32>
    %and3A_328 = arith.andi %eq3A_326, %lt3A_327 : vector<16xi1>
    %or3A_329 = arith.ori %gt3A_325, %and3A_328 : vector<16xi1>
    %and3A_330 = arith.andi %eq3A_324, %or3A_329 : vector<16xi1>
    %or3A_331 = arith.ori %or3A_315, %and3A_330 : vector<16xi1>
    %broadcast_in_dim3A_332 = arith.constant 6 : i32
    %broadcast_in_dim3A_333 = vector.broadcast %broadcast_in_dim3A_332 : i32 to vector<16xi32>
    %broadcast_in_dim3A_334 = vector.shape_cast %broadcast_in_dim3A_333 : vector<16xi32> to vector<16x1xi32>
    %gather3A_335 = vector.shape_cast %broadcast_in_dim3A_334 : vector<16x1xi32> to vector<16xi32>
    %gather3A_336 = tpu.dynamic_gather %convert_element_type3A_235[%gather3A_335] in [0] : vector<16xf32>, vector<16xi32> -> vector<16xf32>
    %broadcast_in_dim3A_337 = vector.shape_cast %broadcast_in_dim3A_333 : vector<16xi32> to vector<16x1xi32>
    %gather3A_338 = vector.shape_cast %broadcast_in_dim3A_337 : vector<16x1xi32> to vector<16xi32>
    %gather3A_339 = tpu.dynamic_gather %select_n3A_234[%gather3A_338] in [0] : vector<16xf32>, vector<16xi32> -> vector<16xf32>
    %eq3A_340 = arith.cmpf oeq, %gather3A_336, %convert_element_type3A_235 : vector<16xf32>
    %gt3A_341 = arith.cmpf ogt, %gather3A_339, %select_n3A_234 : vector<16xf32>
    %eq3A_342 = arith.cmpf oeq, %gather3A_339, %select_n3A_234 : vector<16xf32>
    %lt3A_343 = arith.cmpi slt, %broadcast_in_dim3A_333, %iota3A : vector<16xi32>
    %and3A_344 = arith.andi %eq3A_342, %lt3A_343 : vector<16xi1>
    %or3A_345 = arith.ori %gt3A_341, %and3A_344 : vector<16xi1>
    %and3A_346 = arith.andi %eq3A_340, %or3A_345 : vector<16xi1>
    %or3A_347 = arith.ori %or3A_331, %and3A_346 : vector<16xi1>
    %broadcast_in_dim3A_348 = arith.constant 7 : i32
    %broadcast_in_dim3A_349 = vector.broadcast %broadcast_in_dim3A_348 : i32 to vector<16xi32>
    %broadcast_in_dim3A_350 = vector.shape_cast %broadcast_in_dim3A_349 : vector<16xi32> to vector<16x1xi32>
    %gather3A_351 = vector.shape_cast %broadcast_in_dim3A_350 : vector<16x1xi32> to vector<16xi32>
    %gather3A_352 = tpu.dynamic_gather %convert_element_type3A_235[%gather3A_351] in [0] : vector<16xf32>, vector<16xi32> -> vector<16xf32>
    %broadcast_in_dim3A_353 = vector.shape_cast %broadcast_in_dim3A_349 : vector<16xi32> to vector<16x1xi32>
    %gather3A_354 = vector.shape_cast %broadcast_in_dim3A_353 : vector<16x1xi32> to vector<16xi32>
    %gather3A_355 = tpu.dynamic_gather %select_n3A_234[%gather3A_354] in [0] : vector<16xf32>, vector<16xi32> -> vector<16xf32>
    %eq3A_356 = arith.cmpf oeq, %gather3A_352, %convert_element_type3A_235 : vector<16xf32>
    %gt3A_357 = arith.cmpf ogt, %gather3A_355, %select_n3A_234 : vector<16xf32>
    %eq3A_358 = arith.cmpf oeq, %gather3A_355, %select_n3A_234 : vector<16xf32>
    %lt3A_359 = arith.cmpi slt, %broadcast_in_dim3A_349, %iota3A : vector<16xi32>
    %and3A_360 = arith.andi %eq3A_358, %lt3A_359 : vector<16xi1>
    %or3A_361 = arith.ori %gt3A_357, %and3A_360 : vector<16xi1>
    %and3A_362 = arith.andi %eq3A_356, %or3A_361 : vector<16xi1>
    %or3A_363 = arith.ori %or3A_347, %and3A_362 : vector<16xi1>
    %broadcast_in_dim3A_364 = arith.constant 8 : i32
    %broadcast_in_dim3A_365 = vector.broadcast %broadcast_in_dim3A_364 : i32 to vector<16xi32>
    %broadcast_in_dim3A_366 = vector.shape_cast %broadcast_in_dim3A_365 : vector<16xi32> to vector<16x1xi32>
    %gather3A_367 = vector.shape_cast %broadcast_in_dim3A_366 : vector<16x1xi32> to vector<16xi32>
    %gather3A_368 = tpu.dynamic_gather %convert_element_type3A_235[%gather3A_367] in [0] : vector<16xf32>, vector<16xi32> -> vector<16xf32>
    %broadcast_in_dim3A_369 = vector.shape_cast %broadcast_in_dim3A_365 : vector<16xi32> to vector<16x1xi32>
    %gather3A_370 = vector.shape_cast %broadcast_in_dim3A_369 : vector<16x1xi32> to vector<16xi32>
    %gather3A_371 = tpu.dynamic_gather %select_n3A_234[%gather3A_370] in [0] : vector<16xf32>, vector<16xi32> -> vector<16xf32>
    %eq3A_372 = arith.cmpf oeq, %gather3A_368, %convert_element_type3A_235 : vector<16xf32>
    %gt3A_373 = arith.cmpf ogt, %gather3A_371, %select_n3A_234 : vector<16xf32>
    %eq3A_374 = arith.cmpf oeq, %gather3A_371, %select_n3A_234 : vector<16xf32>
    %lt3A_375 = arith.cmpi slt, %broadcast_in_dim3A_365, %iota3A : vector<16xi32>
    %and3A_376 = arith.andi %eq3A_374, %lt3A_375 : vector<16xi1>
    %or3A_377 = arith.ori %gt3A_373, %and3A_376 : vector<16xi1>
    %and3A_378 = arith.andi %eq3A_372, %or3A_377 : vector<16xi1>
    %or3A_379 = arith.ori %or3A_363, %and3A_378 : vector<16xi1>
    %broadcast_in_dim3A_380 = arith.constant 9 : i32
    %broadcast_in_dim3A_381 = vector.broadcast %broadcast_in_dim3A_380 : i32 to vector<16xi32>
    %broadcast_in_dim3A_382 = vector.shape_cast %broadcast_in_dim3A_381 : vector<16xi32> to vector<16x1xi32>
    %gather3A_383 = vector.shape_cast %broadcast_in_dim3A_382 : vector<16x1xi32> to vector<16xi32>
    %gather3A_384 = tpu.dynamic_gather %convert_element_type3A_235[%gather3A_383] in [0] : vector<16xf32>, vector<16xi32> -> vector<16xf32>
    %broadcast_in_dim3A_385 = vector.shape_cast %broadcast_in_dim3A_381 : vector<16xi32> to vector<16x1xi32>
    %gather3A_386 = vector.shape_cast %broadcast_in_dim3A_385 : vector<16x1xi32> to vector<16xi32>
    %gather3A_387 = tpu.dynamic_gather %select_n3A_234[%gather3A_386] in [0] : vector<16xf32>, vector<16xi32> -> vector<16xf32>
    %eq3A_388 = arith.cmpf oeq, %gather3A_384, %convert_element_type3A_235 : vector<16xf32>
    %gt3A_389 = arith.cmpf ogt, %gather3A_387, %select_n3A_234 : vector<16xf32>
    %eq3A_390 = arith.cmpf oeq, %gather3A_387, %select_n3A_234 : vector<16xf32>
    %lt3A_391 = arith.cmpi slt, %broadcast_in_dim3A_381, %iota3A : vector<16xi32>
    %and3A_392 = arith.andi %eq3A_390, %lt3A_391 : vector<16xi1>
    %or3A_393 = arith.ori %gt3A_389, %and3A_392 : vector<16xi1>
    %and3A_394 = arith.andi %eq3A_388, %or3A_393 : vector<16xi1>
    %or3A_395 = arith.ori %or3A_379, %and3A_394 : vector<16xi1>
    %broadcast_in_dim3A_396 = arith.constant 10 : i32
    %broadcast_in_dim3A_397 = vector.broadcast %broadcast_in_dim3A_396 : i32 to vector<16xi32>
    %broadcast_in_dim3A_398 = vector.shape_cast %broadcast_in_dim3A_397 : vector<16xi32> to vector<16x1xi32>
    %gather3A_399 = vector.shape_cast %broadcast_in_dim3A_398 : vector<16x1xi32> to vector<16xi32>
    %gather3A_400 = tpu.dynamic_gather %convert_element_type3A_235[%gather3A_399] in [0] : vector<16xf32>, vector<16xi32> -> vector<16xf32>
    %broadcast_in_dim3A_401 = vector.shape_cast %broadcast_in_dim3A_397 : vector<16xi32> to vector<16x1xi32>
    %gather3A_402 = vector.shape_cast %broadcast_in_dim3A_401 : vector<16x1xi32> to vector<16xi32>
    %gather3A_403 = tpu.dynamic_gather %select_n3A_234[%gather3A_402] in [0] : vector<16xf32>, vector<16xi32> -> vector<16xf32>
    %eq3A_404 = arith.cmpf oeq, %gather3A_400, %convert_element_type3A_235 : vector<16xf32>
    %gt3A_405 = arith.cmpf ogt, %gather3A_403, %select_n3A_234 : vector<16xf32>
    %eq3A_406 = arith.cmpf oeq, %gather3A_403, %select_n3A_234 : vector<16xf32>
    %lt3A_407 = arith.cmpi slt, %broadcast_in_dim3A_397, %iota3A : vector<16xi32>
    %and3A_408 = arith.andi %eq3A_406, %lt3A_407 : vector<16xi1>
    %or3A_409 = arith.ori %gt3A_405, %and3A_408 : vector<16xi1>
    %and3A_410 = arith.andi %eq3A_404, %or3A_409 : vector<16xi1>
    %or3A_411 = arith.ori %or3A_395, %and3A_410 : vector<16xi1>
    %broadcast_in_dim3A_412 = arith.constant 11 : i32
    %broadcast_in_dim3A_413 = vector.broadcast %broadcast_in_dim3A_412 : i32 to vector<16xi32>
    %broadcast_in_dim3A_414 = vector.shape_cast %broadcast_in_dim3A_413 : vector<16xi32> to vector<16x1xi32>
    %gather3A_415 = vector.shape_cast %broadcast_in_dim3A_414 : vector<16x1xi32> to vector<16xi32>
    %gather3A_416 = tpu.dynamic_gather %convert_element_type3A_235[%gather3A_415] in [0] : vector<16xf32>, vector<16xi32> -> vector<16xf32>
    %broadcast_in_dim3A_417 = vector.shape_cast %broadcast_in_dim3A_413 : vector<16xi32> to vector<16x1xi32>
    %gather3A_418 = vector.shape_cast %broadcast_in_dim3A_417 : vector<16x1xi32> to vector<16xi32>
    %gather3A_419 = tpu.dynamic_gather %select_n3A_234[%gather3A_418] in [0] : vector<16xf32>, vector<16xi32> -> vector<16xf32>
    %eq3A_420 = arith.cmpf oeq, %gather3A_416, %convert_element_type3A_235 : vector<16xf32>
    %gt3A_421 = arith.cmpf ogt, %gather3A_419, %select_n3A_234 : vector<16xf32>
    %eq3A_422 = arith.cmpf oeq, %gather3A_419, %select_n3A_234 : vector<16xf32>
    %lt3A_423 = arith.cmpi slt, %broadcast_in_dim3A_413, %iota3A : vector<16xi32>
    %and3A_424 = arith.andi %eq3A_422, %lt3A_423 : vector<16xi1>
    %or3A_425 = arith.ori %gt3A_421, %and3A_424 : vector<16xi1>
    %and3A_426 = arith.andi %eq3A_420, %or3A_425 : vector<16xi1>
    %or3A_427 = arith.ori %or3A_411, %and3A_426 : vector<16xi1>
    %broadcast_in_dim3A_428 = arith.constant 12 : i32
    %broadcast_in_dim3A_429 = vector.broadcast %broadcast_in_dim3A_428 : i32 to vector<16xi32>
    %broadcast_in_dim3A_430 = vector.shape_cast %broadcast_in_dim3A_429 : vector<16xi32> to vector<16x1xi32>
    %gather3A_431 = vector.shape_cast %broadcast_in_dim3A_430 : vector<16x1xi32> to vector<16xi32>
    %gather3A_432 = tpu.dynamic_gather %convert_element_type3A_235[%gather3A_431] in [0] : vector<16xf32>, vector<16xi32> -> vector<16xf32>
    %broadcast_in_dim3A_433 = vector.shape_cast %broadcast_in_dim3A_429 : vector<16xi32> to vector<16x1xi32>
    %gather3A_434 = vector.shape_cast %broadcast_in_dim3A_433 : vector<16x1xi32> to vector<16xi32>
    %gather3A_435 = tpu.dynamic_gather %select_n3A_234[%gather3A_434] in [0] : vector<16xf32>, vector<16xi32> -> vector<16xf32>
    %eq3A_436 = arith.cmpf oeq, %gather3A_432, %convert_element_type3A_235 : vector<16xf32>
    %gt3A_437 = arith.cmpf ogt, %gather3A_435, %select_n3A_234 : vector<16xf32>
    %eq3A_438 = arith.cmpf oeq, %gather3A_435, %select_n3A_234 : vector<16xf32>
    %lt3A_439 = arith.cmpi slt, %broadcast_in_dim3A_429, %iota3A : vector<16xi32>
    %and3A_440 = arith.andi %eq3A_438, %lt3A_439 : vector<16xi1>
    %or3A_441 = arith.ori %gt3A_437, %and3A_440 : vector<16xi1>
    %and3A_442 = arith.andi %eq3A_436, %or3A_441 : vector<16xi1>
    %or3A_443 = arith.ori %or3A_427, %and3A_442 : vector<16xi1>
    %broadcast_in_dim3A_444 = arith.constant 13 : i32
    %broadcast_in_dim3A_445 = vector.broadcast %broadcast_in_dim3A_444 : i32 to vector<16xi32>
    %broadcast_in_dim3A_446 = vector.shape_cast %broadcast_in_dim3A_445 : vector<16xi32> to vector<16x1xi32>
    %gather3A_447 = vector.shape_cast %broadcast_in_dim3A_446 : vector<16x1xi32> to vector<16xi32>
    %gather3A_448 = tpu.dynamic_gather %convert_element_type3A_235[%gather3A_447] in [0] : vector<16xf32>, vector<16xi32> -> vector<16xf32>
    %broadcast_in_dim3A_449 = vector.shape_cast %broadcast_in_dim3A_445 : vector<16xi32> to vector<16x1xi32>
    %gather3A_450 = vector.shape_cast %broadcast_in_dim3A_449 : vector<16x1xi32> to vector<16xi32>
    %gather3A_451 = tpu.dynamic_gather %select_n3A_234[%gather3A_450] in [0] : vector<16xf32>, vector<16xi32> -> vector<16xf32>
    %eq3A_452 = arith.cmpf oeq, %gather3A_448, %convert_element_type3A_235 : vector<16xf32>
    %gt3A_453 = arith.cmpf ogt, %gather3A_451, %select_n3A_234 : vector<16xf32>
    %eq3A_454 = arith.cmpf oeq, %gather3A_451, %select_n3A_234 : vector<16xf32>
    %lt3A_455 = arith.cmpi slt, %broadcast_in_dim3A_445, %iota3A : vector<16xi32>
    %and3A_456 = arith.andi %eq3A_454, %lt3A_455 : vector<16xi1>
    %or3A_457 = arith.ori %gt3A_453, %and3A_456 : vector<16xi1>
    %and3A_458 = arith.andi %eq3A_452, %or3A_457 : vector<16xi1>
    %or3A_459 = arith.ori %or3A_443, %and3A_458 : vector<16xi1>
    %broadcast_in_dim3A_460 = arith.constant 14 : i32
    %broadcast_in_dim3A_461 = vector.broadcast %broadcast_in_dim3A_460 : i32 to vector<16xi32>
    %broadcast_in_dim3A_462 = vector.shape_cast %broadcast_in_dim3A_461 : vector<16xi32> to vector<16x1xi32>
    %gather3A_463 = vector.shape_cast %broadcast_in_dim3A_462 : vector<16x1xi32> to vector<16xi32>
    %gather3A_464 = tpu.dynamic_gather %convert_element_type3A_235[%gather3A_463] in [0] : vector<16xf32>, vector<16xi32> -> vector<16xf32>
    %broadcast_in_dim3A_465 = vector.shape_cast %broadcast_in_dim3A_461 : vector<16xi32> to vector<16x1xi32>
    %gather3A_466 = vector.shape_cast %broadcast_in_dim3A_465 : vector<16x1xi32> to vector<16xi32>
    %gather3A_467 = tpu.dynamic_gather %select_n3A_234[%gather3A_466] in [0] : vector<16xf32>, vector<16xi32> -> vector<16xf32>
    %eq3A_468 = arith.cmpf oeq, %gather3A_464, %convert_element_type3A_235 : vector<16xf32>
    %gt3A_469 = arith.cmpf ogt, %gather3A_467, %select_n3A_234 : vector<16xf32>
    %eq3A_470 = arith.cmpf oeq, %gather3A_467, %select_n3A_234 : vector<16xf32>
    %lt3A_471 = arith.cmpi slt, %broadcast_in_dim3A_461, %iota3A : vector<16xi32>
    %and3A_472 = arith.andi %eq3A_470, %lt3A_471 : vector<16xi1>
    %or3A_473 = arith.ori %gt3A_469, %and3A_472 : vector<16xi1>
    %and3A_474 = arith.andi %eq3A_468, %or3A_473 : vector<16xi1>
    %or3A_475 = arith.ori %or3A_459, %and3A_474 : vector<16xi1>
    %broadcast_in_dim3A_476 = arith.constant 15 : i32
    %broadcast_in_dim3A_477 = vector.broadcast %broadcast_in_dim3A_476 : i32 to vector<16xi32>
    %broadcast_in_dim3A_478 = vector.shape_cast %broadcast_in_dim3A_477 : vector<16xi32> to vector<16x1xi32>
    %gather3A_479 = vector.shape_cast %broadcast_in_dim3A_478 : vector<16x1xi32> to vector<16xi32>
    %gather3A_480 = tpu.dynamic_gather %convert_element_type3A_235[%gather3A_479] in [0] : vector<16xf32>, vector<16xi32> -> vector<16xf32>
    %broadcast_in_dim3A_481 = vector.shape_cast %broadcast_in_dim3A_477 : vector<16xi32> to vector<16x1xi32>
    %gather3A_482 = vector.shape_cast %broadcast_in_dim3A_481 : vector<16x1xi32> to vector<16xi32>
    %gather3A_483 = tpu.dynamic_gather %select_n3A_234[%gather3A_482] in [0] : vector<16xf32>, vector<16xi32> -> vector<16xf32>
    %eq3A_484 = arith.cmpf oeq, %gather3A_480, %convert_element_type3A_235 : vector<16xf32>
    %gt3A_485 = arith.cmpf ogt, %gather3A_483, %select_n3A_234 : vector<16xf32>
    %eq3A_486 = arith.cmpf oeq, %gather3A_483, %select_n3A_234 : vector<16xf32>
    %lt3A_487 = arith.cmpi slt, %broadcast_in_dim3A_477, %iota3A : vector<16xi32>
    %and3A_488 = arith.andi %eq3A_486, %lt3A_487 : vector<16xi1>
    %or3A_489 = arith.ori %gt3A_485, %and3A_488 : vector<16xi1>
    %and3A_490 = arith.andi %eq3A_484, %or3A_489 : vector<16xi1>
    %or3A_491 = arith.ori %or3A_475, %and3A_490 : vector<16xi1>
    %not3A = arith.constant dense<true> : vector<16xi1>
    %not3A_492 = arith.xori %or3A_491, %not3A : vector<16xi1>
    %and3A_493 = arith.andi %and3A_231, %not3A_492 : vector<16xi1>
    %select_n3A_494 = arith.select %gt3A, %gather3A_73, %gather3A : vector<16xi1>, vector<16xf32>
    %select_n3A_495 = arith.select %gt3A, %gather3A_77, %gather3A_57 : vector<16xi1>, vector<16xf32>
    %select_n3A_496 = arith.select %gt3A, %gather3A_81, %gather3A_61 : vector<16xi1>, vector<16xf32>
    %select_n3A_497 = arith.select %gt3A, %gather3A_85, %gather3A_65 : vector<16xi1>, vector<16xf32>
    %select_n3A_498 = arith.select %gt3A, %gather3A_89, %gather3A_69 : vector<16xi1>, vector<16xf32>
    %sub3A_499 = arith.subf %select_n3A_494, %sub3A_40 : vector<16xf32>
    %sub3A_500 = arith.subf %select_n3A_495, %sub3A_41 : vector<16xf32>
    %mul3A_501 = arith.mulf %sub3A_499, %sub3A_499 : vector<16xf32>
    %mul3A_502 = arith.mulf %sub3A_500, %sub3A_500 : vector<16xf32>
    %add3A_503 = arith.addf %mul3A_501, %mul3A_502 : vector<16xf32>
    %mul3A_504 = arith.constant 5.000000e+00 : f32
    %mul3A_505 = vector.broadcast %mul3A_504 : f32 to vector<16xf32>
    %mul3A_506 = arith.mulf %mul3A_505, %add3A_503 : vector<16xf32>
    %bitcast3A = vector.bitcast %select_n3A_496 : vector<16xf32> to vector<16xi32>
    %shift_right_arithmetic3A = arith.constant 1 : i32
    %shift_right_arithmetic3A_507 = vector.broadcast %shift_right_arithmetic3A : i32 to vector<16xi32>
    %shift_right_arithmetic3A_508 = arith.shrsi %bitcast3A, %shift_right_arithmetic3A_507 : vector<16xi32>
    %add3A_509 = arith.constant 532487670 : i32
    %add3A_510 = vector.broadcast %add3A_509 : i32 to vector<16xi32>
    %add3A_511 = arith.addi %shift_right_arithmetic3A_508, %add3A_510 : vector<16xi32>
    %bitcast3A_512 = vector.bitcast %add3A_511 : vector<16xi32> to vector<16xf32>
    %div3A_513 = arith.divf %select_n3A_496, %bitcast3A_512 : vector<16xf32>
    %add3A_514 = arith.addf %bitcast3A_512, %div3A_513 : vector<16xf32>
    %mul3A_515 = arith.constant 5.000000e-01 : f32
    %mul3A_516 = vector.broadcast %mul3A_515 : f32 to vector<16xf32>
    %mul3A_517 = arith.mulf %mul3A_516, %add3A_514 : vector<16xf32>
    %div3A_518 = arith.divf %select_n3A_496, %mul3A_517 : vector<16xf32>
    %add3A_519 = arith.addf %mul3A_517, %div3A_518 : vector<16xf32>
    %mul3A_520 = arith.constant 5.000000e-01 : f32
    %mul3A_521 = vector.broadcast %mul3A_520 : f32 to vector<16xf32>
    %mul3A_522 = arith.mulf %mul3A_521, %add3A_519 : vector<16xf32>
    %div3A_523 = arith.divf %select_n3A_496, %mul3A_522 : vector<16xf32>
    %add3A_524 = arith.addf %mul3A_522, %div3A_523 : vector<16xf32>
    %mul3A_525 = arith.constant 5.000000e-01 : f32
    %mul3A_526 = vector.broadcast %mul3A_525 : f32 to vector<16xf32>
    %mul3A_527 = arith.mulf %mul3A_526, %add3A_524 : vector<16xf32>
    %bitcast3A_528 = vector.bitcast %sub3A : vector<16xf32> to vector<16xi32>
    %shift_right_arithmetic3A_529 = arith.constant 1 : i32
    %shift_right_arithmetic3A_530 = vector.broadcast %shift_right_arithmetic3A_529 : i32 to vector<16xi32>
    %shift_right_arithmetic3A_531 = arith.shrsi %bitcast3A_528, %shift_right_arithmetic3A_530 : vector<16xi32>
    %add3A_532 = arith.constant 532487670 : i32
    %add3A_533 = vector.broadcast %add3A_532 : i32 to vector<16xi32>
    %add3A_534 = arith.addi %shift_right_arithmetic3A_531, %add3A_533 : vector<16xi32>
    %bitcast3A_535 = vector.bitcast %add3A_534 : vector<16xi32> to vector<16xf32>
    %div3A_536 = arith.divf %sub3A, %bitcast3A_535 : vector<16xf32>
    %add3A_537 = arith.addf %bitcast3A_535, %div3A_536 : vector<16xf32>
    %mul3A_538 = arith.constant 5.000000e-01 : f32
    %mul3A_539 = vector.broadcast %mul3A_538 : f32 to vector<16xf32>
    %mul3A_540 = arith.mulf %mul3A_539, %add3A_537 : vector<16xf32>
    %div3A_541 = arith.divf %sub3A, %mul3A_540 : vector<16xf32>
    %add3A_542 = arith.addf %mul3A_540, %div3A_541 : vector<16xf32>
    %mul3A_543 = arith.constant 5.000000e-01 : f32
    %mul3A_544 = vector.broadcast %mul3A_543 : f32 to vector<16xf32>
    %mul3A_545 = arith.mulf %mul3A_544, %add3A_542 : vector<16xf32>
    %div3A_546 = arith.divf %sub3A, %mul3A_545 : vector<16xf32>
    %add3A_547 = arith.addf %mul3A_545, %div3A_546 : vector<16xf32>
    %mul3A_548 = arith.constant 5.000000e-01 : f32
    %mul3A_549 = vector.broadcast %mul3A_548 : f32 to vector<16xf32>
    %mul3A_550 = arith.mulf %mul3A_549, %add3A_547 : vector<16xf32>
    %sub3A_551 = arith.subf %mul3A_527, %mul3A_550 : vector<16xf32>
    %bitcast3A_552 = vector.bitcast %select_n3A_497 : vector<16xf32> to vector<16xi32>
    %shift_right_arithmetic3A_553 = arith.constant 1 : i32
    %shift_right_arithmetic3A_554 = vector.broadcast %shift_right_arithmetic3A_553 : i32 to vector<16xi32>
    %shift_right_arithmetic3A_555 = arith.shrsi %bitcast3A_552, %shift_right_arithmetic3A_554 : vector<16xi32>
    %add3A_556 = arith.constant 532487670 : i32
    %add3A_557 = vector.broadcast %add3A_556 : i32 to vector<16xi32>
    %add3A_558 = arith.addi %shift_right_arithmetic3A_555, %add3A_557 : vector<16xi32>
    %bitcast3A_559 = vector.bitcast %add3A_558 : vector<16xi32> to vector<16xf32>
    %div3A_560 = arith.divf %select_n3A_497, %bitcast3A_559 : vector<16xf32>
    %add3A_561 = arith.addf %bitcast3A_559, %div3A_560 : vector<16xf32>
    %mul3A_562 = arith.constant 5.000000e-01 : f32
    %mul3A_563 = vector.broadcast %mul3A_562 : f32 to vector<16xf32>
    %mul3A_564 = arith.mulf %mul3A_563, %add3A_561 : vector<16xf32>
    %div3A_565 = arith.divf %select_n3A_497, %mul3A_564 : vector<16xf32>
    %add3A_566 = arith.addf %mul3A_564, %div3A_565 : vector<16xf32>
    %mul3A_567 = arith.constant 5.000000e-01 : f32
    %mul3A_568 = vector.broadcast %mul3A_567 : f32 to vector<16xf32>
    %mul3A_569 = arith.mulf %mul3A_568, %add3A_566 : vector<16xf32>
    %div3A_570 = arith.divf %select_n3A_497, %mul3A_569 : vector<16xf32>
    %add3A_571 = arith.addf %mul3A_569, %div3A_570 : vector<16xf32>
    %mul3A_572 = arith.constant 5.000000e-01 : f32
    %mul3A_573 = vector.broadcast %mul3A_572 : f32 to vector<16xf32>
    %mul3A_574 = arith.mulf %mul3A_573, %add3A_571 : vector<16xf32>
    %bitcast3A_575 = vector.bitcast %sub3A_22 : vector<16xf32> to vector<16xi32>
    %shift_right_arithmetic3A_576 = arith.constant 1 : i32
    %shift_right_arithmetic3A_577 = vector.broadcast %shift_right_arithmetic3A_576 : i32 to vector<16xi32>
    %shift_right_arithmetic3A_578 = arith.shrsi %bitcast3A_575, %shift_right_arithmetic3A_577 : vector<16xi32>
    %add3A_579 = arith.constant 532487670 : i32
    %add3A_580 = vector.broadcast %add3A_579 : i32 to vector<16xi32>
    %add3A_581 = arith.addi %shift_right_arithmetic3A_578, %add3A_580 : vector<16xi32>
    %bitcast3A_582 = vector.bitcast %add3A_581 : vector<16xi32> to vector<16xf32>
    %div3A_583 = arith.divf %sub3A_22, %bitcast3A_582 : vector<16xf32>
    %add3A_584 = arith.addf %bitcast3A_582, %div3A_583 : vector<16xf32>
    %mul3A_585 = arith.constant 5.000000e-01 : f32
    %mul3A_586 = vector.broadcast %mul3A_585 : f32 to vector<16xf32>
    %mul3A_587 = arith.mulf %mul3A_586, %add3A_584 : vector<16xf32>
    %div3A_588 = arith.divf %sub3A_22, %mul3A_587 : vector<16xf32>
    %add3A_589 = arith.addf %mul3A_587, %div3A_588 : vector<16xf32>
    %mul3A_590 = arith.constant 5.000000e-01 : f32
    %mul3A_591 = vector.broadcast %mul3A_590 : f32 to vector<16xf32>
    %mul3A_592 = arith.mulf %mul3A_591, %add3A_589 : vector<16xf32>
    %div3A_593 = arith.divf %sub3A_22, %mul3A_592 : vector<16xf32>
    %add3A_594 = arith.addf %mul3A_592, %div3A_593 : vector<16xf32>
    %mul3A_595 = arith.constant 5.000000e-01 : f32
    %mul3A_596 = vector.broadcast %mul3A_595 : f32 to vector<16xf32>
    %mul3A_597 = arith.mulf %mul3A_596, %add3A_594 : vector<16xf32>
    %sub3A_598 = arith.subf %mul3A_574, %mul3A_597 : vector<16xf32>
    %mul3A_599 = arith.mulf %sub3A_551, %sub3A_551 : vector<16xf32>
    %mul3A_600 = arith.mulf %sub3A_598, %sub3A_598 : vector<16xf32>
    %add3A_601 = arith.addf %mul3A_599, %mul3A_600 : vector<16xf32>
    %mul3A_602 = arith.constant 5.000000e+00 : f32
    %mul3A_603 = vector.broadcast %mul3A_602 : f32 to vector<16xf32>
    %mul3A_604 = arith.mulf %mul3A_603, %add3A_601 : vector<16xf32>
    %sub3A_605 = arith.subf %select_n3A_498, %max3A_221 : vector<16xf32>
    %mul3A_606 = arith.mulf %sub3A_605, %sub3A_605 : vector<16xf32>
    %mul3A_607 = arith.constant -5.000000e-01 : f32
    %mul3A_608 = vector.broadcast %mul3A_607 : f32 to vector<16xf32>
    %mul3A_609 = arith.mulf %mul3A_608, %select_n3A_498 : vector<16xf32>
    %mul3A_610 = arith.mulf %mul3A_609, %select_n3A_498 : vector<16xf32>
    %broadcast_in_dim3A_611 = arith.constant 0.000000e+00 : f32
    %broadcast_in_dim3A_612 = vector.broadcast %broadcast_in_dim3A_611 : f32 to vector<16xf32>
    %add3A_613 = arith.constant 640 : i32
    %add3A_614 = vector.broadcast %add3A_613 : i32 to vector<16xi32>
    %add3A_615 = arith.addi %add3A_614, %min3A_49 : vector<16xi32>
    %gather3A_616 = tpu.vector_load_idx %arg4[%add3A_615] : memref<4480xf32, #tpu.memory_space<vmem>>[vector<16xi32>], vector<16xf32>,
    %mul3A_617 = arith.mulf %gather3A_616, %gather3A_616 : vector<16xf32>
    %add3A_618 = arith.addf %broadcast_in_dim3A_612, %mul3A_617 : vector<16xf32>
    %add3A_619 = arith.constant 704 : i32
    %add3A_620 = vector.broadcast %add3A_619 : i32 to vector<16xi32>
    %add3A_621 = arith.addi %add3A_620, %min3A_49 : vector<16xi32>
    %gather3A_622 = tpu.vector_load_idx %arg4[%add3A_621] : memref<4480xf32, #tpu.memory_space<vmem>>[vector<16xi32>], vector<16xf32>,
    %mul3A_623 = arith.mulf %gather3A_622, %gather3A_622 : vector<16xf32>
    %add3A_624 = arith.addf %add3A_618, %mul3A_623 : vector<16xf32>
    %add3A_625 = arith.constant 768 : i32
    %add3A_626 = vector.broadcast %add3A_625 : i32 to vector<16xi32>
    %add3A_627 = arith.addi %add3A_626, %min3A_49 : vector<16xi32>
    %gather3A_628 = tpu.vector_load_idx %arg4[%add3A_627] : memref<4480xf32, #tpu.memory_space<vmem>>[vector<16xi32>], vector<16xf32>,
    %mul3A_629 = arith.mulf %gather3A_628, %gather3A_628 : vector<16xf32>
    %add3A_630 = arith.addf %add3A_624, %mul3A_629 : vector<16xf32>
    %add3A_631 = arith.constant 832 : i32
    %add3A_632 = vector.broadcast %add3A_631 : i32 to vector<16xi32>
    %add3A_633 = arith.addi %add3A_632, %min3A_49 : vector<16xi32>
    %gather3A_634 = tpu.vector_load_idx %arg4[%add3A_633] : memref<4480xf32, #tpu.memory_space<vmem>>[vector<16xi32>], vector<16xf32>,
    %mul3A_635 = arith.mulf %gather3A_634, %gather3A_634 : vector<16xf32>
    %add3A_636 = arith.addf %add3A_630, %mul3A_635 : vector<16xf32>
    %add3A_637 = arith.constant 896 : i32
    %add3A_638 = vector.broadcast %add3A_637 : i32 to vector<16xi32>
    %add3A_639 = arith.addi %add3A_638, %min3A_49 : vector<16xi32>
    %gather3A_640 = tpu.vector_load_idx %arg4[%add3A_639] : memref<4480xf32, #tpu.memory_space<vmem>>[vector<16xi32>], vector<16xf32>,
    %mul3A_641 = arith.mulf %gather3A_640, %gather3A_640 : vector<16xf32>
    %add3A_642 = arith.addf %add3A_636, %mul3A_641 : vector<16xf32>
    %add3A_643 = arith.constant 960 : i32
    %add3A_644 = vector.broadcast %add3A_643 : i32 to vector<16xi32>
    %add3A_645 = arith.addi %add3A_644, %min3A_49 : vector<16xi32>
    %gather3A_646 = tpu.vector_load_idx %arg4[%add3A_645] : memref<4480xf32, #tpu.memory_space<vmem>>[vector<16xi32>], vector<16xf32>,
    %mul3A_647 = arith.mulf %gather3A_646, %gather3A_646 : vector<16xf32>
    %add3A_648 = arith.addf %add3A_642, %mul3A_647 : vector<16xf32>
    %add3A_649 = arith.constant 1024 : i32
    %add3A_650 = vector.broadcast %add3A_649 : i32 to vector<16xi32>
    %add3A_651 = arith.addi %add3A_650, %min3A_49 : vector<16xi32>
    %gather3A_652 = tpu.vector_load_idx %arg4[%add3A_651] : memref<4480xf32, #tpu.memory_space<vmem>>[vector<16xi32>], vector<16xf32>,
    %mul3A_653 = arith.mulf %gather3A_652, %gather3A_652 : vector<16xf32>
    %add3A_654 = arith.addf %add3A_648, %mul3A_653 : vector<16xf32>
    %add3A_655 = arith.constant 1088 : i32
    %add3A_656 = vector.broadcast %add3A_655 : i32 to vector<16xi32>
    %add3A_657 = arith.addi %add3A_656, %min3A_49 : vector<16xi32>
    %gather3A_658 = tpu.vector_load_idx %arg4[%add3A_657] : memref<4480xf32, #tpu.memory_space<vmem>>[vector<16xi32>], vector<16xf32>,
    %mul3A_659 = arith.mulf %gather3A_658, %gather3A_658 : vector<16xf32>
    %add3A_660 = arith.addf %add3A_654, %mul3A_659 : vector<16xf32>
    %add3A_661 = arith.constant 1152 : i32
    %add3A_662 = vector.broadcast %add3A_661 : i32 to vector<16xi32>
    %add3A_663 = arith.addi %add3A_662, %min3A_49 : vector<16xi32>
    %gather3A_664 = tpu.vector_load_idx %arg4[%add3A_663] : memref<4480xf32, #tpu.memory_space<vmem>>[vector<16xi32>], vector<16xf32>,
    %mul3A_665 = arith.mulf %gather3A_664, %gather3A_664 : vector<16xf32>
    %add3A_666 = arith.addf %add3A_660, %mul3A_665 : vector<16xf32>
    %add3A_667 = arith.constant 1216 : i32
    %add3A_668 = vector.broadcast %add3A_667 : i32 to vector<16xi32>
    %add3A_669 = arith.addi %add3A_668, %min3A_49 : vector<16xi32>
    %gather3A_670 = tpu.vector_load_idx %arg4[%add3A_669] : memref<4480xf32, #tpu.memory_space<vmem>>[vector<16xi32>], vector<16xf32>,
    %mul3A_671 = arith.mulf %gather3A_670, %gather3A_670 : vector<16xf32>
    %add3A_672 = arith.addf %add3A_666, %mul3A_671 : vector<16xf32>
    %add3A_673 = arith.constant 1280 : i32
    %add3A_674 = vector.broadcast %add3A_673 : i32 to vector<16xi32>
    %add3A_675 = arith.addi %add3A_674, %min3A_49 : vector<16xi32>
    %gather3A_676 = tpu.vector_load_idx %arg4[%add3A_675] : memref<4480xf32, #tpu.memory_space<vmem>>[vector<16xi32>], vector<16xf32>,
    %mul3A_677 = arith.mulf %gather3A_676, %gather3A_676 : vector<16xf32>
    %add3A_678 = arith.addf %add3A_672, %mul3A_677 : vector<16xf32>
    %add3A_679 = arith.constant 1344 : i32
    %add3A_680 = vector.broadcast %add3A_679 : i32 to vector<16xi32>
    %add3A_681 = arith.addi %add3A_680, %min3A_49 : vector<16xi32>
    %gather3A_682 = tpu.vector_load_idx %arg4[%add3A_681] : memref<4480xf32, #tpu.memory_space<vmem>>[vector<16xi32>], vector<16xf32>,
    %mul3A_683 = arith.mulf %gather3A_682, %gather3A_682 : vector<16xf32>
    %add3A_684 = arith.addf %add3A_678, %mul3A_683 : vector<16xf32>
    %add3A_685 = arith.constant 1408 : i32
    %add3A_686 = vector.broadcast %add3A_685 : i32 to vector<16xi32>
    %add3A_687 = arith.addi %add3A_686, %min3A_49 : vector<16xi32>
    %gather3A_688 = tpu.vector_load_idx %arg4[%add3A_687] : memref<4480xf32, #tpu.memory_space<vmem>>[vector<16xi32>], vector<16xf32>,
    %mul3A_689 = arith.mulf %gather3A_688, %gather3A_688 : vector<16xf32>
    %add3A_690 = arith.addf %add3A_684, %mul3A_689 : vector<16xf32>
    %add3A_691 = arith.constant 1472 : i32
    %add3A_692 = vector.broadcast %add3A_691 : i32 to vector<16xi32>
    %add3A_693 = arith.addi %add3A_692, %min3A_49 : vector<16xi32>
    %gather3A_694 = tpu.vector_load_idx %arg4[%add3A_693] : memref<4480xf32, #tpu.memory_space<vmem>>[vector<16xi32>], vector<16xf32>,
    %mul3A_695 = arith.mulf %gather3A_694, %gather3A_694 : vector<16xf32>
    %add3A_696 = arith.addf %add3A_690, %mul3A_695 : vector<16xf32>
    %add3A_697 = arith.constant 1536 : i32
    %add3A_698 = vector.broadcast %add3A_697 : i32 to vector<16xi32>
    %add3A_699 = arith.addi %add3A_698, %min3A_49 : vector<16xi32>
    %gather3A_700 = tpu.vector_load_idx %arg4[%add3A_699] : memref<4480xf32, #tpu.memory_space<vmem>>[vector<16xi32>], vector<16xf32>,
    %mul3A_701 = arith.mulf %gather3A_700, %gather3A_700 : vector<16xf32>
    %add3A_702 = arith.addf %add3A_696, %mul3A_701 : vector<16xf32>
    %add3A_703 = arith.constant 1600 : i32
    %add3A_704 = vector.broadcast %add3A_703 : i32 to vector<16xi32>
    %add3A_705 = arith.addi %add3A_704, %min3A_49 : vector<16xi32>
    %gather3A_706 = tpu.vector_load_idx %arg4[%add3A_705] : memref<4480xf32, #tpu.memory_space<vmem>>[vector<16xi32>], vector<16xf32>,
    %mul3A_707 = arith.mulf %gather3A_706, %gather3A_706 : vector<16xf32>
    %add3A_708 = arith.addf %add3A_702, %mul3A_707 : vector<16xf32>
    %add3A_709 = arith.constant 1664 : i32
    %add3A_710 = vector.broadcast %add3A_709 : i32 to vector<16xi32>
    %add3A_711 = arith.addi %add3A_710, %min3A_49 : vector<16xi32>
    %gather3A_712 = tpu.vector_load_idx %arg4[%add3A_711] : memref<4480xf32, #tpu.memory_space<vmem>>[vector<16xi32>], vector<16xf32>,
    %mul3A_713 = arith.mulf %gather3A_712, %gather3A_712 : vector<16xf32>
    %add3A_714 = arith.addf %add3A_708, %mul3A_713 : vector<16xf32>
    %add3A_715 = arith.constant 1728 : i32
    %add3A_716 = vector.broadcast %add3A_715 : i32 to vector<16xi32>
    %add3A_717 = arith.addi %add3A_716, %min3A_49 : vector<16xi32>
    %gather3A_718 = tpu.vector_load_idx %arg4[%add3A_717] : memref<4480xf32, #tpu.memory_space<vmem>>[vector<16xi32>], vector<16xf32>,
    %mul3A_719 = arith.mulf %gather3A_718, %gather3A_718 : vector<16xf32>
    %add3A_720 = arith.addf %add3A_714, %mul3A_719 : vector<16xf32>
    %add3A_721 = arith.constant 1792 : i32
    %add3A_722 = vector.broadcast %add3A_721 : i32 to vector<16xi32>
    %add3A_723 = arith.addi %add3A_722, %min3A_49 : vector<16xi32>
    %gather3A_724 = tpu.vector_load_idx %arg4[%add3A_723] : memref<4480xf32, #tpu.memory_space<vmem>>[vector<16xi32>], vector<16xf32>,
    %mul3A_725 = arith.mulf %gather3A_724, %gather3A_724 : vector<16xf32>
    %add3A_726 = arith.addf %add3A_720, %mul3A_725 : vector<16xf32>
    %add3A_727 = arith.constant 1856 : i32
    %add3A_728 = vector.broadcast %add3A_727 : i32 to vector<16xi32>
    %add3A_729 = arith.addi %add3A_728, %min3A_49 : vector<16xi32>
    %gather3A_730 = tpu.vector_load_idx %arg4[%add3A_729] : memref<4480xf32, #tpu.memory_space<vmem>>[vector<16xi32>], vector<16xf32>,
    %mul3A_731 = arith.mulf %gather3A_730, %gather3A_730 : vector<16xf32>
    %add3A_732 = arith.addf %add3A_726, %mul3A_731 : vector<16xf32>
    %add3A_733 = arith.constant 10 : i32
    %add3A_734 = vector.broadcast %add3A_733 : i32 to vector<16xi32>
    %add3A_735 = arith.addi %add3A_734, %convert_element_type3A_50 : vector<16xi32>
    %mul3A_736 = arith.constant 64 : i32
    %mul3A_737 = vector.broadcast %mul3A_736 : i32 to vector<16xi32>
    %mul3A_738 = arith.muli %add3A_735, %mul3A_737 : vector<16xi32>
    %add3A_739 = arith.constant 0 : i32
    %add3A_740 = vector.broadcast %add3A_739 : i32 to vector<16xi32>
    %add3A_741 = arith.addi %add3A_740, %mul3A_738 : vector<16xi32>
    %add3A_742 = arith.addi %add3A_741, %min3A_49 : vector<16xi32>
    %gather3A_743 = tpu.vector_load_idx %arg4[%add3A_742] : memref<4480xf32, #tpu.memory_space<vmem>>[vector<16xi32>], vector<16xf32>,
    %mul3A_744 = arith.constant 2.000000e+00 : f32
    %mul3A_745 = vector.broadcast %mul3A_744 : f32 to vector<16xf32>
    %mul3A_746 = arith.mulf %mul3A_745, %gather3A_743 : vector<16xf32>
    %sub3A_747 = arith.subf %add3A_732, %mul3A_746 : vector<16xf32>
    %add3A_748 = arith.constant 1.000000e+00 : f32
    %add3A_749 = vector.broadcast %add3A_748 : f32 to vector<16xf32>
    %add3A_750 = arith.addf %sub3A_747, %add3A_749 : vector<16xf32>
    %add3A_751 = arith.addf %mul3A_506, %mul3A_604 : vector<16xf32>
    %add3A_752 = arith.addf %add3A_751, %mul3A_606 : vector<16xf32>
    %add3A_753 = arith.addf %add3A_752, %mul3A_610 : vector<16xf32>
    %add3A_754 = arith.addf %add3A_753, %add3A_750 : vector<16xf32>
    %jit3A_755 = arith.constant 0.000000e+00 : f32
    %broadcast_in_dim3A_756 = vector.broadcast %jit3A_755 : f32 to vector<16xf32>
    %select_n3A_757 = arith.select %and3A_493, %add3A_754, %broadcast_in_dim3A_756 : vector<16xi1>, vector<16xf32>
    %broadcast_in_dim3A_758 = arith.constant 0.000000e+00 : f32
    %broadcast_in_dim3A_759 = vector.broadcast %broadcast_in_dim3A_758 : f32 to vector<16xf32>
    %get3A_760 = arith.constant 256 : index
    %get3A_761 = tpu.vector_load %arg4[%get3A_760] {strides = array<i32>} : memref<4480xf32, #tpu.memory_space<vmem>>, vector<16xf32>,
    %get3A_762 = arith.constant 576 : index
    %get3A_763 = tpu.vector_load %arg4[%get3A_762] {strides = array<i32>} : memref<4480xf32, #tpu.memory_space<vmem>>, vector<16xf32>,
    %mul3A_764 = arith.mulf %get3A_761, %get3A_761 : vector<16xf32>
    %add3A_765 = arith.addf %broadcast_in_dim3A_759, %mul3A_764 : vector<16xf32>
    %mul3A_766 = arith.mulf %get3A_763, %get3A_763 : vector<16xf32>
    %add3A_767 = arith.addf %add3A_765, %mul3A_766 : vector<16xf32>
    %get3A_768 = arith.constant 272 : index
    %get3A_769 = tpu.vector_load %arg4[%get3A_768] {strides = array<i32>} : memref<4480xf32, #tpu.memory_space<vmem>>, vector<16xf32>,
    %get3A_770 = arith.constant 592 : index
    %get3A_771 = tpu.vector_load %arg4[%get3A_770] {strides = array<i32>} : memref<4480xf32, #tpu.memory_space<vmem>>, vector<16xf32>,
    %mul3A_772 = arith.mulf %get3A_769, %get3A_769 : vector<16xf32>
    %add3A_773 = arith.addf %add3A_767, %mul3A_772 : vector<16xf32>
    %mul3A_774 = arith.mulf %get3A_771, %get3A_771 : vector<16xf32>
    %add3A_775 = arith.addf %add3A_773, %mul3A_774 : vector<16xf32>
    %get3A_776 = arith.constant 288 : index
    %get3A_777 = tpu.vector_load %arg4[%get3A_776] {strides = array<i32>} : memref<4480xf32, #tpu.memory_space<vmem>>, vector<16xf32>,
    %get3A_778 = arith.constant 608 : index
    %get3A_779 = tpu.vector_load %arg4[%get3A_778] {strides = array<i32>} : memref<4480xf32, #tpu.memory_space<vmem>>, vector<16xf32>,
    %mul3A_780 = arith.mulf %get3A_777, %get3A_777 : vector<16xf32>
    %add3A_781 = arith.addf %add3A_775, %mul3A_780 : vector<16xf32>
    %mul3A_782 = arith.mulf %get3A_779, %get3A_779 : vector<16xf32>
    %add3A_783 = arith.addf %add3A_781, %mul3A_782 : vector<16xf32>
    %get3A_784 = arith.constant 304 : index
    %get3A_785 = tpu.vector_load %arg4[%get3A_784] {strides = array<i32>} : memref<4480xf32, #tpu.memory_space<vmem>>, vector<16xf32>,
    %get3A_786 = arith.constant 624 : index
    %get3A_787 = tpu.vector_load %arg4[%get3A_786] {strides = array<i32>} : memref<4480xf32, #tpu.memory_space<vmem>>, vector<16xf32>,
    %mul3A_788 = arith.mulf %get3A_785, %get3A_785 : vector<16xf32>
    %add3A_789 = arith.addf %add3A_783, %mul3A_788 : vector<16xf32>
    %mul3A_790 = arith.mulf %get3A_787, %get3A_787 : vector<16xf32>
    %add3A_791 = arith.addf %add3A_789, %mul3A_790 : vector<16xf32>
    %mul3A_792 = arith.constant 5.000000e-01 : f32
    %mul3A_793 = vector.broadcast %mul3A_792 : f32 to vector<16xf32>
    %mul3A_794 = arith.mulf %mul3A_793, %add3A_791 : vector<16xf32>
    %add3A_795 = arith.addf %select_n3A_757, %mul3A_794 : vector<16xf32>
    %add3A_796 = arith.addf %broadcast_in_dim3A_5, %add3A_795 : vector<16xf32>
    %get3A_797 = arith.constant 4160 : index
    %get3A_798 = tpu.vector_load %arg4[%get3A_797] {strides = array<i32>} : memref<4480xf32, #tpu.memory_space<vmem>>, vector<16xf32>,
    %get3A_799 = arith.constant 4224 : index
    %get3A_800 = tpu.vector_load %arg4[%get3A_799] {strides = array<i32>} : memref<4480xf32, #tpu.memory_space<vmem>>, vector<16xf32>,
    %get3A_801 = arith.constant 4288 : index
    %get3A_802 = tpu.vector_load %arg4[%get3A_801] {strides = array<i32>} : memref<4480xf32, #tpu.memory_space<vmem>>, vector<16xf32>,
    %get3A_803 = arith.constant 4352 : index
    %get3A_804 = tpu.vector_load %arg4[%get3A_803] {strides = array<i32>} : memref<4480xf32, #tpu.memory_space<vmem>>, vector<16xf32>,
    %get3A_805 = arith.constant 4416 : index
    %get3A_806 = tpu.vector_load %arg4[%get3A_805] {strides = array<i32>} : memref<4480xf32, #tpu.memory_space<vmem>>, vector<16xf32>,
    %add3A_807 = arith.addf %get3A_798, %get3A_802 : vector<16xf32>
    %div3A_808 = arith.constant 2.000000e+00 : f32
    %div3A_809 = vector.broadcast %div3A_808 : f32 to vector<16xf32>
    %div3A_810 = arith.divf %add3A_807, %div3A_809 : vector<16xf32>
    %add3A_811 = arith.addf %get3A_800, %get3A_804 : vector<16xf32>
    %div3A_812 = arith.constant 2.000000e+00 : f32
    %div3A_813 = vector.broadcast %div3A_812 : f32 to vector<16xf32>
    %div3A_814 = arith.divf %add3A_811, %div3A_813 : vector<16xf32>
    %sub3A_815 = arith.subf %get3A_802, %get3A_798 : vector<16xf32>
    %sub3A_816 = arith.subf %get3A_804, %get3A_800 : vector<16xf32>
    %mul3A_817 = arith.constant 7.000000e+00 : f32
    %mul3A_818 = vector.broadcast %mul3A_817 : f32 to vector<16xf32>
    %mul3A_819 = arith.mulf %div3A_810, %mul3A_818 : vector<16xf32>
    %mul3A_820 = arith.constant 7.000000e+00 : f32
    %mul3A_821 = vector.broadcast %mul3A_820 : f32 to vector<16xf32>
    %mul3A_822 = arith.mulf %div3A_814, %mul3A_821 : vector<16xf32>
    %convert_element_type3A_823 = arith.fptosi %mul3A_819 : vector<16xf32> to vector<16xi32>
    %convert_element_type3A_824 = arith.fptosi %mul3A_822 : vector<16xf32> to vector<16xi32>
    %convert_element_type3A_825 = arith.sitofp %convert_element_type3A_823 : vector<16xi32> to vector<16xf32>
    %convert_element_type3A_826 = arith.sitofp %convert_element_type3A_824 : vector<16xi32> to vector<16xf32>
    %eq3A_827 = arith.cmpf oeq, %convert_element_type3A_825, %mul3A_819 : vector<16xf32>
    %sub3A_828 = arith.constant 1.000000e+00 : f32
    %sub3A_829 = vector.broadcast %sub3A_828 : f32 to vector<16xf32>
    %sub3A_830 = arith.subf %convert_element_type3A_825, %sub3A_829 : vector<16xf32>
    %select_n3A_831 = arith.select %eq3A_827, %sub3A_830, %convert_element_type3A_825 : vector<16xi1>, vector<16xf32>
    %eq3A_832 = arith.cmpf oeq, %convert_element_type3A_826, %mul3A_822 : vector<16xf32>
    %sub3A_833 = arith.constant 1.000000e+00 : f32
    %sub3A_834 = vector.broadcast %sub3A_833 : f32 to vector<16xf32>
    %sub3A_835 = arith.subf %convert_element_type3A_826, %sub3A_834 : vector<16xf32>
    %select_n3A_836 = arith.select %eq3A_832, %sub3A_835, %convert_element_type3A_826 : vector<16xi1>, vector<16xf32>
    %sub3A_837 = arith.subf %mul3A_819, %select_n3A_831 : vector<16xf32>
    %sub3A_838 = arith.subf %mul3A_822, %select_n3A_836 : vector<16xf32>
    %mul3A_839 = arith.constant 7.000000e+00 : f32
    %mul3A_840 = vector.broadcast %mul3A_839 : f32 to vector<16xf32>
    %mul3A_841 = arith.mulf %select_n3A_836, %mul3A_840 : vector<16xf32>
    %add3A_842 = arith.addf %mul3A_841, %select_n3A_831 : vector<16xf32>
    %convert_element_type3A_843 = arith.fptosi %add3A_842 : vector<16xf32> to vector<16xi32>
    %jit3A_844 = arith.constant 0 : i32
    %jit3A_845 = arith.constant 48 : i32
    %max3A_846 = vector.broadcast %jit3A_844 : i32 to vector<16xi32>
    %max3A_847 = arith.maxsi %max3A_846, %convert_element_type3A_843 : vector<16xi32>
    %min3A_848 = vector.broadcast %jit3A_845 : i32 to vector<16xi32>
    %min3A_849 = arith.minsi %min3A_848, %max3A_847 : vector<16xi32>
    %convert_element_type3A_850 = arith.fptosi %get3A_806 : vector<16xf32> to vector<16xi32>
    %add3A_851 = arith.constant 2240 : i32
    %add3A_852 = vector.broadcast %add3A_851 : i32 to vector<16xi32>
    %add3A_853 = arith.addi %add3A_852, %min3A_849 : vector<16xi32>
    %gather3A_854 = tpu.vector_load_idx %arg4[%add3A_853] : memref<4480xf32, #tpu.memory_space<vmem>>[vector<16xi32>], vector<16xf32>,
    %add3A_855 = arith.constant 2304 : i32
    %add3A_856 = vector.broadcast %add3A_855 : i32 to vector<16xi32>
    %add3A_857 = arith.addi %add3A_856, %min3A_849 : vector<16xi32>
    %gather3A_858 = tpu.vector_load_idx %arg4[%add3A_857] : memref<4480xf32, #tpu.memory_space<vmem>>[vector<16xi32>], vector<16xf32>,
    %add3A_859 = arith.constant 2368 : i32
    %add3A_860 = vector.broadcast %add3A_859 : i32 to vector<16xi32>
    %add3A_861 = arith.addi %add3A_860, %min3A_849 : vector<16xi32>
    %gather3A_862 = tpu.vector_load_idx %arg4[%add3A_861] : memref<4480xf32, #tpu.memory_space<vmem>>[vector<16xi32>], vector<16xf32>,
    %add3A_863 = arith.constant 2432 : i32
    %add3A_864 = vector.broadcast %add3A_863 : i32 to vector<16xi32>
    %add3A_865 = arith.addi %add3A_864, %min3A_849 : vector<16xi32>
    %gather3A_866 = tpu.vector_load_idx %arg4[%add3A_865] : memref<4480xf32, #tpu.memory_space<vmem>>[vector<16xi32>], vector<16xf32>,
    %add3A_867 = arith.constant 2496 : i32
    %add3A_868 = vector.broadcast %add3A_867 : i32 to vector<16xi32>
    %add3A_869 = arith.addi %add3A_868, %min3A_849 : vector<16xi32>
    %gather3A_870 = tpu.vector_load_idx %arg4[%add3A_869] : memref<4480xf32, #tpu.memory_space<vmem>>[vector<16xi32>], vector<16xf32>,
    %add3A_871 = arith.constant 2560 : i32
    %add3A_872 = vector.broadcast %add3A_871 : i32 to vector<16xi32>
    %add3A_873 = arith.addi %add3A_872, %min3A_849 : vector<16xi32>
    %gather3A_874 = tpu.vector_load_idx %arg4[%add3A_873] : memref<4480xf32, #tpu.memory_space<vmem>>[vector<16xi32>], vector<16xf32>,
    %add3A_875 = arith.constant 2624 : i32
    %add3A_876 = vector.broadcast %add3A_875 : i32 to vector<16xi32>
    %add3A_877 = arith.addi %add3A_876, %min3A_849 : vector<16xi32>
    %gather3A_878 = tpu.vector_load_idx %arg4[%add3A_877] : memref<4480xf32, #tpu.memory_space<vmem>>[vector<16xi32>], vector<16xf32>,
    %add3A_879 = arith.constant 2688 : i32
    %add3A_880 = vector.broadcast %add3A_879 : i32 to vector<16xi32>
    %add3A_881 = arith.addi %add3A_880, %min3A_849 : vector<16xi32>
    %gather3A_882 = tpu.vector_load_idx %arg4[%add3A_881] : memref<4480xf32, #tpu.memory_space<vmem>>[vector<16xi32>], vector<16xf32>,
    %add3A_883 = arith.constant 2752 : i32
    %add3A_884 = vector.broadcast %add3A_883 : i32 to vector<16xi32>
    %add3A_885 = arith.addi %add3A_884, %min3A_849 : vector<16xi32>
    %gather3A_886 = tpu.vector_load_idx %arg4[%add3A_885] : memref<4480xf32, #tpu.memory_space<vmem>>[vector<16xi32>], vector<16xf32>,
    %add3A_887 = arith.constant 2816 : i32
    %add3A_888 = vector.broadcast %add3A_887 : i32 to vector<16xi32>
    %add3A_889 = arith.addi %add3A_888, %min3A_849 : vector<16xi32>
    %gather3A_890 = tpu.vector_load_idx %arg4[%add3A_889] : memref<4480xf32, #tpu.memory_space<vmem>>[vector<16xi32>], vector<16xf32>,
    %jit3A_891 = arith.constant 7 : i32
    %div3A_892 = vector.broadcast %jit3A_891 : i32 to vector<16xi32>
    %div3A_893 = arith.divsi %min3A_849, %div3A_892 : vector<16xi32>
    %sign3A_894 = arith.constant 0 : i32
    %sign3A_895 = vector.broadcast %sign3A_894 : i32 to vector<16xi32>
    %sign3A_896 = arith.cmpi sgt, %min3A_849, %sign3A_895 : vector<16xi32>
    %sign3A_897 = arith.extui %sign3A_896 : vector<16xi1> to vector<16xi32>
    %sign3A_898 = arith.constant 0 : i32
    %sign3A_899 = vector.broadcast %sign3A_898 : i32 to vector<16xi32>
    %sign3A_900 = arith.cmpi slt, %min3A_849, %sign3A_899 : vector<16xi32>
    %sign3A_901 = arith.extui %sign3A_900 : vector<16xi1> to vector<16xi32>
    %sign3A_902 = arith.subi %sign3A_897, %sign3A_901 : vector<16xi32>
    %sign3A_903 = arith.constant 0 : i32
    %sign3A_904 = arith.cmpi sgt, %jit3A_891, %sign3A_903 : i32
    %sign3A_905 = arith.extui %sign3A_904 : i1 to i32
    %sign3A_906 = arith.constant 0 : i32
    %sign3A_907 = arith.cmpi slt, %jit3A_891, %sign3A_906 : i32
    %sign3A_908 = arith.extui %sign3A_907 : i1 to i32
    %sign3A_909 = arith.subi %sign3A_905, %sign3A_908 : i32
    %ne3A_910 = vector.broadcast %sign3A_909 : i32 to vector<16xi32>
    %ne3A_911 = arith.cmpi ne, %sign3A_902, %ne3A_910 : vector<16xi32>
    %rem3A_912 = vector.broadcast %jit3A_891 : i32 to vector<16xi32>
    %rem3A_913 = arith.remsi %min3A_849, %rem3A_912 : vector<16xi32>
    %ne3A_914 = arith.constant 0 : i32
    %ne3A_915 = vector.broadcast %ne3A_914 : i32 to vector<16xi32>
    %ne3A_916 = arith.cmpi ne, %rem3A_913, %ne3A_915 : vector<16xi32>
    %and3A_917 = arith.andi %ne3A_911, %ne3A_916 : vector<16xi1>
    %sub3A_918 = arith.constant 1 : i32
    %sub3A_919 = vector.broadcast %sub3A_918 : i32 to vector<16xi32>
    %sub3A_920 = arith.subi %div3A_893, %sub3A_919 : vector<16xi32>
    %select_n3A_921 = arith.select %and3A_917, %sub3A_920, %div3A_893 : vector<16xi1>, vector<16xi32>
    %mul3A_922 = arith.constant 7 : i32
    %mul3A_923 = vector.broadcast %mul3A_922 : i32 to vector<16xi32>
    %mul3A_924 = arith.muli %select_n3A_921, %mul3A_923 : vector<16xi32>
    %sub3A_925 = arith.subi %min3A_849, %mul3A_924 : vector<16xi32>
    %convert_element_type3A_926 = arith.sitofp %select_n3A_921 : vector<16xi32> to vector<16xf32>
    %convert_element_type3A_927 = arith.sitofp %sub3A_925 : vector<16xi32> to vector<16xf32>
    %add3A_928 = arith.addf %gather3A_854, %convert_element_type3A_927 : vector<16xf32>
    %div3A_929 = arith.constant 7.000000e+00 : f32
    %div3A_930 = vector.broadcast %div3A_929 : f32 to vector<16xf32>
    %div3A_931 = arith.divf %add3A_928, %div3A_930 : vector<16xf32>
    %add3A_932 = arith.addf %gather3A_858, %convert_element_type3A_926 : vector<16xf32>
    %div3A_933 = arith.constant 7.000000e+00 : f32
    %div3A_934 = vector.broadcast %div3A_933 : f32 to vector<16xf32>
    %div3A_935 = arith.divf %add3A_932, %div3A_934 : vector<16xf32>
    %div3A_936 = arith.constant 2.000000e+00 : f32
    %div3A_937 = vector.broadcast %div3A_936 : f32 to vector<16xf32>
    %div3A_938 = arith.divf %gather3A_862, %div3A_937 : vector<16xf32>
    %sub3A_939 = arith.subf %div3A_931, %div3A_938 : vector<16xf32>
    %div3A_940 = arith.constant 2.000000e+00 : f32
    %div3A_941 = vector.broadcast %div3A_940 : f32 to vector<16xf32>
    %div3A_942 = arith.divf %gather3A_866, %div3A_941 : vector<16xf32>
    %sub3A_943 = arith.subf %div3A_935, %div3A_942 : vector<16xf32>
    %div3A_944 = arith.constant 2.000000e+00 : f32
    %div3A_945 = vector.broadcast %div3A_944 : f32 to vector<16xf32>
    %div3A_946 = arith.divf %gather3A_862, %div3A_945 : vector<16xf32>
    %add3A_947 = arith.addf %div3A_931, %div3A_946 : vector<16xf32>
    %div3A_948 = arith.constant 2.000000e+00 : f32
    %div3A_949 = vector.broadcast %div3A_948 : f32 to vector<16xf32>
    %div3A_950 = arith.divf %gather3A_866, %div3A_949 : vector<16xf32>
    %add3A_951 = arith.addf %div3A_935, %div3A_950 : vector<16xf32>
    %sub3A_952 = arith.subf %get3A_802, %get3A_798 : vector<16xf32>
    %sub3A_953 = arith.subf %get3A_804, %get3A_800 : vector<16xf32>
    %mul3A_954 = arith.mulf %sub3A_952, %sub3A_953 : vector<16xf32>
    %sub3A_955 = arith.subf %add3A_947, %sub3A_939 : vector<16xf32>
    %sub3A_956 = arith.subf %add3A_951, %sub3A_943 : vector<16xf32>
    %mul3A_957 = arith.mulf %sub3A_955, %sub3A_956 : vector<16xf32>
    %min3A_958 = arith.minimumf %get3A_802, %add3A_947 : vector<16xf32>
    %max3A_959 = arith.maximumf %get3A_798, %sub3A_939 : vector<16xf32>
    %sub3A_960 = arith.subf %min3A_958, %max3A_959 : vector<16xf32>
    %max3A_961 = arith.constant 0.000000e+00 : f32
    %max3A_962 = vector.broadcast %max3A_961 : f32 to vector<16xf32>
    %max3A_963 = arith.maximumf %sub3A_960, %max3A_962 : vector<16xf32>
    %min3A_964 = arith.minimumf %get3A_804, %add3A_951 : vector<16xf32>
    %max3A_965 = arith.maximumf %get3A_800, %sub3A_943 : vector<16xf32>
    %sub3A_966 = arith.subf %min3A_964, %max3A_965 : vector<16xf32>
    %max3A_967 = arith.constant 0.000000e+00 : f32
    %max3A_968 = vector.broadcast %max3A_967 : f32 to vector<16xf32>
    %max3A_969 = arith.maximumf %sub3A_966, %max3A_968 : vector<16xf32>
    %mul3A_970 = arith.mulf %max3A_963, %max3A_969 : vector<16xf32>
    %add3A_971 = arith.addf %mul3A_954, %mul3A_957 : vector<16xf32>
    %sub3A_972 = arith.subf %add3A_971, %mul3A_970 : vector<16xf32>
    %max3A_973 = arith.constant 9.99999996E-13 : f32
    %max3A_974 = vector.broadcast %max3A_973 : f32 to vector<16xf32>
    %max3A_975 = arith.maximumf %sub3A_972, %max3A_974 : vector<16xf32>
    %div3A_976 = arith.divf %mul3A_970, %max3A_975 : vector<16xf32>
    %add3A_977 = arith.addf %gather3A_874, %convert_element_type3A_927 : vector<16xf32>
    %div3A_978 = arith.constant 7.000000e+00 : f32
    %div3A_979 = vector.broadcast %div3A_978 : f32 to vector<16xf32>
    %div3A_980 = arith.divf %add3A_977, %div3A_979 : vector<16xf32>
    %add3A_981 = arith.addf %gather3A_878, %convert_element_type3A_926 : vector<16xf32>
    %div3A_982 = arith.constant 7.000000e+00 : f32
    %div3A_983 = vector.broadcast %div3A_982 : f32 to vector<16xf32>
    %div3A_984 = arith.divf %add3A_981, %div3A_983 : vector<16xf32>
    %div3A_985 = arith.constant 2.000000e+00 : f32
    %div3A_986 = vector.broadcast %div3A_985 : f32 to vector<16xf32>
    %div3A_987 = arith.divf %gather3A_882, %div3A_986 : vector<16xf32>
    %sub3A_988 = arith.subf %div3A_980, %div3A_987 : vector<16xf32>
    %div3A_989 = arith.constant 2.000000e+00 : f32
    %div3A_990 = vector.broadcast %div3A_989 : f32 to vector<16xf32>
    %div3A_991 = arith.divf %gather3A_886, %div3A_990 : vector<16xf32>
    %sub3A_992 = arith.subf %div3A_984, %div3A_991 : vector<16xf32>
    %div3A_993 = arith.constant 2.000000e+00 : f32
    %div3A_994 = vector.broadcast %div3A_993 : f32 to vector<16xf32>
    %div3A_995 = arith.divf %gather3A_882, %div3A_994 : vector<16xf32>
    %add3A_996 = arith.addf %div3A_980, %div3A_995 : vector<16xf32>
    %div3A_997 = arith.constant 2.000000e+00 : f32
    %div3A_998 = vector.broadcast %div3A_997 : f32 to vector<16xf32>
    %div3A_999 = arith.divf %gather3A_886, %div3A_998 : vector<16xf32>
    %add3A_1000 = arith.addf %div3A_984, %div3A_999 : vector<16xf32>
    %sub3A_1001 = arith.subf %get3A_802, %get3A_798 : vector<16xf32>
    %sub3A_1002 = arith.subf %get3A_804, %get3A_800 : vector<16xf32>
    %mul3A_1003 = arith.mulf %sub3A_1001, %sub3A_1002 : vector<16xf32>
    %sub3A_1004 = arith.subf %add3A_996, %sub3A_988 : vector<16xf32>
    %sub3A_1005 = arith.subf %add3A_1000, %sub3A_992 : vector<16xf32>
    %mul3A_1006 = arith.mulf %sub3A_1004, %sub3A_1005 : vector<16xf32>
    %min3A_1007 = arith.minimumf %get3A_802, %add3A_996 : vector<16xf32>
    %max3A_1008 = arith.maximumf %get3A_798, %sub3A_988 : vector<16xf32>
    %sub3A_1009 = arith.subf %min3A_1007, %max3A_1008 : vector<16xf32>
    %max3A_1010 = arith.constant 0.000000e+00 : f32
    %max3A_1011 = vector.broadcast %max3A_1010 : f32 to vector<16xf32>
    %max3A_1012 = arith.maximumf %sub3A_1009, %max3A_1011 : vector<16xf32>
    %min3A_1013 = arith.minimumf %get3A_804, %add3A_1000 : vector<16xf32>
    %max3A_1014 = arith.maximumf %get3A_800, %sub3A_992 : vector<16xf32>
    %sub3A_1015 = arith.subf %min3A_1013, %max3A_1014 : vector<16xf32>
    %max3A_1016 = arith.constant 0.000000e+00 : f32
    %max3A_1017 = vector.broadcast %max3A_1016 : f32 to vector<16xf32>
    %max3A_1018 = arith.maximumf %sub3A_1015, %max3A_1017 : vector<16xf32>
    %mul3A_1019 = arith.mulf %max3A_1012, %max3A_1018 : vector<16xf32>
    %add3A_1020 = arith.addf %mul3A_1003, %mul3A_1006 : vector<16xf32>
    %sub3A_1021 = arith.subf %add3A_1020, %mul3A_1019 : vector<16xf32>
    %max3A_1022 = arith.constant 9.99999996E-13 : f32
    %max3A_1023 = vector.broadcast %max3A_1022 : f32 to vector<16xf32>
    %max3A_1024 = arith.maximumf %sub3A_1021, %max3A_1023 : vector<16xf32>
    %div3A_1025 = arith.divf %mul3A_1019, %max3A_1024 : vector<16xf32>
    %gt3A_1026 = arith.cmpf ogt, %div3A_1025, %div3A_976 : vector<16xf32>
    %max3A_1027 = arith.maximumf %div3A_976, %div3A_1025 : vector<16xf32>
    %add3A_1028 = arith.addf %get3A_798, %get3A_800 : vector<16xf32>
    %add3A_1029 = arith.addf %add3A_1028, %get3A_802 : vector<16xf32>
    %add3A_1030 = arith.addf %add3A_1029, %get3A_804 : vector<16xf32>
    %ne3A_1031 = arith.constant 0.000000e+00 : f32
    %ne3A_1032 = vector.broadcast %ne3A_1031 : f32 to vector<16xf32>
    %ne3A_1033 = arith.cmpf one, %add3A_1030, %ne3A_1032 : vector<16xf32>
    %ne3A_1034 = arith.constant 0.000000e+00 : f32
    %ne3A_1035 = vector.broadcast %ne3A_1034 : f32 to vector<16xf32>
    %ne3A_1036 = arith.cmpf one, %max3A_1027, %ne3A_1035 : vector<16xf32>
    %and3A_1037 = arith.andi %ne3A_1033, %ne3A_1036 : vector<16xi1>
    %jit3A_1038 = arith.constant -1.000000e+00 : f32
    %broadcast_in_dim3A_1039 = vector.broadcast %jit3A_1038 : f32 to vector<16xf32>
    %select_n3A_1040 = arith.select %and3A_1037, %max3A_1027, %broadcast_in_dim3A_1039 : vector<16xi1>, vector<16xf32>
    %convert_element_type3A_1041 = arith.sitofp %convert_element_type3A_843 : vector<16xi32> to vector<16xf32>
    %iota3A_1042 = tpu.iota {dimensions = array<i32: 0>} : vector<16xi32>
    %broadcast_in_dim3A_1043 = arith.constant false
    %broadcast_in_dim3A_1044 = vector.broadcast %broadcast_in_dim3A_1043 : i1 to vector<16xi1>
    %broadcast_in_dim3A_1045 = arith.constant 0 : i32
    %broadcast_in_dim3A_1046 = vector.broadcast %broadcast_in_dim3A_1045 : i32 to vector<16xi32>
    %broadcast_in_dim3A_1047 = vector.shape_cast %broadcast_in_dim3A_1046 : vector<16xi32> to vector<16x1xi32>
    %gather3A_1048 = vector.shape_cast %broadcast_in_dim3A_1047 : vector<16x1xi32> to vector<16xi32>
    %gather3A_1049 = tpu.dynamic_gather %convert_element_type3A_1041[%gather3A_1048] in [0] : vector<16xf32>, vector<16xi32> -> vector<16xf32>
    %broadcast_in_dim3A_1050 = vector.shape_cast %broadcast_in_dim3A_1046 : vector<16xi32> to vector<16x1xi32>
    %gather3A_1051 = vector.shape_cast %broadcast_in_dim3A_1050 : vector<16x1xi32> to vector<16xi32>
    %gather3A_1052 = tpu.dynamic_gather %select_n3A_1040[%gather3A_1051] in [0] : vector<16xf32>, vector<16xi32> -> vector<16xf32>
    %eq3A_1053 = arith.cmpf oeq, %gather3A_1049, %convert_element_type3A_1041 : vector<16xf32>
    %gt3A_1054 = arith.cmpf ogt, %gather3A_1052, %select_n3A_1040 : vector<16xf32>
    %eq3A_1055 = arith.cmpf oeq, %gather3A_1052, %select_n3A_1040 : vector<16xf32>
    %lt3A_1056 = arith.cmpi slt, %broadcast_in_dim3A_1046, %iota3A_1042 : vector<16xi32>
    %and3A_1057 = arith.andi %eq3A_1055, %lt3A_1056 : vector<16xi1>
    %or3A_1058 = arith.ori %gt3A_1054, %and3A_1057 : vector<16xi1>
    %and3A_1059 = arith.andi %eq3A_1053, %or3A_1058 : vector<16xi1>
    %or3A_1060 = arith.ori %broadcast_in_dim3A_1044, %and3A_1059 : vector<16xi1>
    %broadcast_in_dim3A_1061 = arith.constant 1 : i32
    %broadcast_in_dim3A_1062 = vector.broadcast %broadcast_in_dim3A_1061 : i32 to vector<16xi32>
    %broadcast_in_dim3A_1063 = vector.shape_cast %broadcast_in_dim3A_1062 : vector<16xi32> to vector<16x1xi32>
    %gather3A_1064 = vector.shape_cast %broadcast_in_dim3A_1063 : vector<16x1xi32> to vector<16xi32>
    %gather3A_1065 = tpu.dynamic_gather %convert_element_type3A_1041[%gather3A_1064] in [0] : vector<16xf32>, vector<16xi32> -> vector<16xf32>
    %broadcast_in_dim3A_1066 = vector.shape_cast %broadcast_in_dim3A_1062 : vector<16xi32> to vector<16x1xi32>
    %gather3A_1067 = vector.shape_cast %broadcast_in_dim3A_1066 : vector<16x1xi32> to vector<16xi32>
    %gather3A_1068 = tpu.dynamic_gather %select_n3A_1040[%gather3A_1067] in [0] : vector<16xf32>, vector<16xi32> -> vector<16xf32>
    %eq3A_1069 = arith.cmpf oeq, %gather3A_1065, %convert_element_type3A_1041 : vector<16xf32>
    %gt3A_1070 = arith.cmpf ogt, %gather3A_1068, %select_n3A_1040 : vector<16xf32>
    %eq3A_1071 = arith.cmpf oeq, %gather3A_1068, %select_n3A_1040 : vector<16xf32>
    %lt3A_1072 = arith.cmpi slt, %broadcast_in_dim3A_1062, %iota3A_1042 : vector<16xi32>
    %and3A_1073 = arith.andi %eq3A_1071, %lt3A_1072 : vector<16xi1>
    %or3A_1074 = arith.ori %gt3A_1070, %and3A_1073 : vector<16xi1>
    %and3A_1075 = arith.andi %eq3A_1069, %or3A_1074 : vector<16xi1>
    %or3A_1076 = arith.ori %or3A_1060, %and3A_1075 : vector<16xi1>
    %broadcast_in_dim3A_1077 = arith.constant 2 : i32
    %broadcast_in_dim3A_1078 = vector.broadcast %broadcast_in_dim3A_1077 : i32 to vector<16xi32>
    %broadcast_in_dim3A_1079 = vector.shape_cast %broadcast_in_dim3A_1078 : vector<16xi32> to vector<16x1xi32>
    %gather3A_1080 = vector.shape_cast %broadcast_in_dim3A_1079 : vector<16x1xi32> to vector<16xi32>
    %gather3A_1081 = tpu.dynamic_gather %convert_element_type3A_1041[%gather3A_1080] in [0] : vector<16xf32>, vector<16xi32> -> vector<16xf32>
    %broadcast_in_dim3A_1082 = vector.shape_cast %broadcast_in_dim3A_1078 : vector<16xi32> to vector<16x1xi32>
    %gather3A_1083 = vector.shape_cast %broadcast_in_dim3A_1082 : vector<16x1xi32> to vector<16xi32>
    %gather3A_1084 = tpu.dynamic_gather %select_n3A_1040[%gather3A_1083] in [0] : vector<16xf32>, vector<16xi32> -> vector<16xf32>
    %eq3A_1085 = arith.cmpf oeq, %gather3A_1081, %convert_element_type3A_1041 : vector<16xf32>
    %gt3A_1086 = arith.cmpf ogt, %gather3A_1084, %select_n3A_1040 : vector<16xf32>
    %eq3A_1087 = arith.cmpf oeq, %gather3A_1084, %select_n3A_1040 : vector<16xf32>
    %lt3A_1088 = arith.cmpi slt, %broadcast_in_dim3A_1078, %iota3A_1042 : vector<16xi32>
    %and3A_1089 = arith.andi %eq3A_1087, %lt3A_1088 : vector<16xi1>
    %or3A_1090 = arith.ori %gt3A_1086, %and3A_1089 : vector<16xi1>
    %and3A_1091 = arith.andi %eq3A_1085, %or3A_1090 : vector<16xi1>
    %or3A_1092 = arith.ori %or3A_1076, %and3A_1091 : vector<16xi1>
    %broadcast_in_dim3A_1093 = arith.constant 3 : i32
    %broadcast_in_dim3A_1094 = vector.broadcast %broadcast_in_dim3A_1093 : i32 to vector<16xi32>
    %broadcast_in_dim3A_1095 = vector.shape_cast %broadcast_in_dim3A_1094 : vector<16xi32> to vector<16x1xi32>
    %gather3A_1096 = vector.shape_cast %broadcast_in_dim3A_1095 : vector<16x1xi32> to vector<16xi32>
    %gather3A_1097 = tpu.dynamic_gather %convert_element_type3A_1041[%gather3A_1096] in [0] : vector<16xf32>, vector<16xi32> -> vector<16xf32>
    %broadcast_in_dim3A_1098 = vector.shape_cast %broadcast_in_dim3A_1094 : vector<16xi32> to vector<16x1xi32>
    %gather3A_1099 = vector.shape_cast %broadcast_in_dim3A_1098 : vector<16x1xi32> to vector<16xi32>
    %gather3A_1100 = tpu.dynamic_gather %select_n3A_1040[%gather3A_1099] in [0] : vector<16xf32>, vector<16xi32> -> vector<16xf32>
    %eq3A_1101 = arith.cmpf oeq, %gather3A_1097, %convert_element_type3A_1041 : vector<16xf32>
    %gt3A_1102 = arith.cmpf ogt, %gather3A_1100, %select_n3A_1040 : vector<16xf32>
    %eq3A_1103 = arith.cmpf oeq, %gather3A_1100, %select_n3A_1040 : vector<16xf32>
    %lt3A_1104 = arith.cmpi slt, %broadcast_in_dim3A_1094, %iota3A_1042 : vector<16xi32>
    %and3A_1105 = arith.andi %eq3A_1103, %lt3A_1104 : vector<16xi1>
    %or3A_1106 = arith.ori %gt3A_1102, %and3A_1105 : vector<16xi1>
    %and3A_1107 = arith.andi %eq3A_1101, %or3A_1106 : vector<16xi1>
    %or3A_1108 = arith.ori %or3A_1092, %and3A_1107 : vector<16xi1>
    %broadcast_in_dim3A_1109 = arith.constant 4 : i32
    %broadcast_in_dim3A_1110 = vector.broadcast %broadcast_in_dim3A_1109 : i32 to vector<16xi32>
    %broadcast_in_dim3A_1111 = vector.shape_cast %broadcast_in_dim3A_1110 : vector<16xi32> to vector<16x1xi32>
    %gather3A_1112 = vector.shape_cast %broadcast_in_dim3A_1111 : vector<16x1xi32> to vector<16xi32>
    %gather3A_1113 = tpu.dynamic_gather %convert_element_type3A_1041[%gather3A_1112] in [0] : vector<16xf32>, vector<16xi32> -> vector<16xf32>
    %broadcast_in_dim3A_1114 = vector.shape_cast %broadcast_in_dim3A_1110 : vector<16xi32> to vector<16x1xi32>
    %gather3A_1115 = vector.shape_cast %broadcast_in_dim3A_1114 : vector<16x1xi32> to vector<16xi32>
    %gather3A_1116 = tpu.dynamic_gather %select_n3A_1040[%gather3A_1115] in [0] : vector<16xf32>, vector<16xi32> -> vector<16xf32>
    %eq3A_1117 = arith.cmpf oeq, %gather3A_1113, %convert_element_type3A_1041 : vector<16xf32>
    %gt3A_1118 = arith.cmpf ogt, %gather3A_1116, %select_n3A_1040 : vector<16xf32>
    %eq3A_1119 = arith.cmpf oeq, %gather3A_1116, %select_n3A_1040 : vector<16xf32>
    %lt3A_1120 = arith.cmpi slt, %broadcast_in_dim3A_1110, %iota3A_1042 : vector<16xi32>
    %and3A_1121 = arith.andi %eq3A_1119, %lt3A_1120 : vector<16xi1>
    %or3A_1122 = arith.ori %gt3A_1118, %and3A_1121 : vector<16xi1>
    %and3A_1123 = arith.andi %eq3A_1117, %or3A_1122 : vector<16xi1>
    %or3A_1124 = arith.ori %or3A_1108, %and3A_1123 : vector<16xi1>
    %broadcast_in_dim3A_1125 = arith.constant 5 : i32
    %broadcast_in_dim3A_1126 = vector.broadcast %broadcast_in_dim3A_1125 : i32 to vector<16xi32>
    %broadcast_in_dim3A_1127 = vector.shape_cast %broadcast_in_dim3A_1126 : vector<16xi32> to vector<16x1xi32>
    %gather3A_1128 = vector.shape_cast %broadcast_in_dim3A_1127 : vector<16x1xi32> to vector<16xi32>
    %gather3A_1129 = tpu.dynamic_gather %convert_element_type3A_1041[%gather3A_1128] in [0] : vector<16xf32>, vector<16xi32> -> vector<16xf32>
    %broadcast_in_dim3A_1130 = vector.shape_cast %broadcast_in_dim3A_1126 : vector<16xi32> to vector<16x1xi32>
    %gather3A_1131 = vector.shape_cast %broadcast_in_dim3A_1130 : vector<16x1xi32> to vector<16xi32>
    %gather3A_1132 = tpu.dynamic_gather %select_n3A_1040[%gather3A_1131] in [0] : vector<16xf32>, vector<16xi32> -> vector<16xf32>
    %eq3A_1133 = arith.cmpf oeq, %gather3A_1129, %convert_element_type3A_1041 : vector<16xf32>
    %gt3A_1134 = arith.cmpf ogt, %gather3A_1132, %select_n3A_1040 : vector<16xf32>
    %eq3A_1135 = arith.cmpf oeq, %gather3A_1132, %select_n3A_1040 : vector<16xf32>
    %lt3A_1136 = arith.cmpi slt, %broadcast_in_dim3A_1126, %iota3A_1042 : vector<16xi32>
    %and3A_1137 = arith.andi %eq3A_1135, %lt3A_1136 : vector<16xi1>
    %or3A_1138 = arith.ori %gt3A_1134, %and3A_1137 : vector<16xi1>
    %and3A_1139 = arith.andi %eq3A_1133, %or3A_1138 : vector<16xi1>
    %or3A_1140 = arith.ori %or3A_1124, %and3A_1139 : vector<16xi1>
    %broadcast_in_dim3A_1141 = arith.constant 6 : i32
    %broadcast_in_dim3A_1142 = vector.broadcast %broadcast_in_dim3A_1141 : i32 to vector<16xi32>
    %broadcast_in_dim3A_1143 = vector.shape_cast %broadcast_in_dim3A_1142 : vector<16xi32> to vector<16x1xi32>
    %gather3A_1144 = vector.shape_cast %broadcast_in_dim3A_1143 : vector<16x1xi32> to vector<16xi32>
    %gather3A_1145 = tpu.dynamic_gather %convert_element_type3A_1041[%gather3A_1144] in [0] : vector<16xf32>, vector<16xi32> -> vector<16xf32>
    %broadcast_in_dim3A_1146 = vector.shape_cast %broadcast_in_dim3A_1142 : vector<16xi32> to vector<16x1xi32>
    %gather3A_1147 = vector.shape_cast %broadcast_in_dim3A_1146 : vector<16x1xi32> to vector<16xi32>
    %gather3A_1148 = tpu.dynamic_gather %select_n3A_1040[%gather3A_1147] in [0] : vector<16xf32>, vector<16xi32> -> vector<16xf32>
    %eq3A_1149 = arith.cmpf oeq, %gather3A_1145, %convert_element_type3A_1041 : vector<16xf32>
    %gt3A_1150 = arith.cmpf ogt, %gather3A_1148, %select_n3A_1040 : vector<16xf32>
    %eq3A_1151 = arith.cmpf oeq, %gather3A_1148, %select_n3A_1040 : vector<16xf32>
    %lt3A_1152 = arith.cmpi slt, %broadcast_in_dim3A_1142, %iota3A_1042 : vector<16xi32>
    %and3A_1153 = arith.andi %eq3A_1151, %lt3A_1152 : vector<16xi1>
    %or3A_1154 = arith.ori %gt3A_1150, %and3A_1153 : vector<16xi1>
    %and3A_1155 = arith.andi %eq3A_1149, %or3A_1154 : vector<16xi1>
    %or3A_1156 = arith.ori %or3A_1140, %and3A_1155 : vector<16xi1>
    %broadcast_in_dim3A_1157 = arith.constant 7 : i32
    %broadcast_in_dim3A_1158 = vector.broadcast %broadcast_in_dim3A_1157 : i32 to vector<16xi32>
    %broadcast_in_dim3A_1159 = vector.shape_cast %broadcast_in_dim3A_1158 : vector<16xi32> to vector<16x1xi32>
    %gather3A_1160 = vector.shape_cast %broadcast_in_dim3A_1159 : vector<16x1xi32> to vector<16xi32>
    %gather3A_1161 = tpu.dynamic_gather %convert_element_type3A_1041[%gather3A_1160] in [0] : vector<16xf32>, vector<16xi32> -> vector<16xf32>
    %broadcast_in_dim3A_1162 = vector.shape_cast %broadcast_in_dim3A_1158 : vector<16xi32> to vector<16x1xi32>
    %gather3A_1163 = vector.shape_cast %broadcast_in_dim3A_1162 : vector<16x1xi32> to vector<16xi32>
    %gather3A_1164 = tpu.dynamic_gather %select_n3A_1040[%gather3A_1163] in [0] : vector<16xf32>, vector<16xi32> -> vector<16xf32>
    %eq3A_1165 = arith.cmpf oeq, %gather3A_1161, %convert_element_type3A_1041 : vector<16xf32>
    %gt3A_1166 = arith.cmpf ogt, %gather3A_1164, %select_n3A_1040 : vector<16xf32>
    %eq3A_1167 = arith.cmpf oeq, %gather3A_1164, %select_n3A_1040 : vector<16xf32>
    %lt3A_1168 = arith.cmpi slt, %broadcast_in_dim3A_1158, %iota3A_1042 : vector<16xi32>
    %and3A_1169 = arith.andi %eq3A_1167, %lt3A_1168 : vector<16xi1>
    %or3A_1170 = arith.ori %gt3A_1166, %and3A_1169 : vector<16xi1>
    %and3A_1171 = arith.andi %eq3A_1165, %or3A_1170 : vector<16xi1>
    %or3A_1172 = arith.ori %or3A_1156, %and3A_1171 : vector<16xi1>
    %broadcast_in_dim3A_1173 = arith.constant 8 : i32
    %broadcast_in_dim3A_1174 = vector.broadcast %broadcast_in_dim3A_1173 : i32 to vector<16xi32>
    %broadcast_in_dim3A_1175 = vector.shape_cast %broadcast_in_dim3A_1174 : vector<16xi32> to vector<16x1xi32>
    %gather3A_1176 = vector.shape_cast %broadcast_in_dim3A_1175 : vector<16x1xi32> to vector<16xi32>
    %gather3A_1177 = tpu.dynamic_gather %convert_element_type3A_1041[%gather3A_1176] in [0] : vector<16xf32>, vector<16xi32> -> vector<16xf32>
    %broadcast_in_dim3A_1178 = vector.shape_cast %broadcast_in_dim3A_1174 : vector<16xi32> to vector<16x1xi32>
    %gather3A_1179 = vector.shape_cast %broadcast_in_dim3A_1178 : vector<16x1xi32> to vector<16xi32>
    %gather3A_1180 = tpu.dynamic_gather %select_n3A_1040[%gather3A_1179] in [0] : vector<16xf32>, vector<16xi32> -> vector<16xf32>
    %eq3A_1181 = arith.cmpf oeq, %gather3A_1177, %convert_element_type3A_1041 : vector<16xf32>
    %gt3A_1182 = arith.cmpf ogt, %gather3A_1180, %select_n3A_1040 : vector<16xf32>
    %eq3A_1183 = arith.cmpf oeq, %gather3A_1180, %select_n3A_1040 : vector<16xf32>
    %lt3A_1184 = arith.cmpi slt, %broadcast_in_dim3A_1174, %iota3A_1042 : vector<16xi32>
    %and3A_1185 = arith.andi %eq3A_1183, %lt3A_1184 : vector<16xi1>
    %or3A_1186 = arith.ori %gt3A_1182, %and3A_1185 : vector<16xi1>
    %and3A_1187 = arith.andi %eq3A_1181, %or3A_1186 : vector<16xi1>
    %or3A_1188 = arith.ori %or3A_1172, %and3A_1187 : vector<16xi1>
    %broadcast_in_dim3A_1189 = arith.constant 9 : i32
    %broadcast_in_dim3A_1190 = vector.broadcast %broadcast_in_dim3A_1189 : i32 to vector<16xi32>
    %broadcast_in_dim3A_1191 = vector.shape_cast %broadcast_in_dim3A_1190 : vector<16xi32> to vector<16x1xi32>
    %gather3A_1192 = vector.shape_cast %broadcast_in_dim3A_1191 : vector<16x1xi32> to vector<16xi32>
    %gather3A_1193 = tpu.dynamic_gather %convert_element_type3A_1041[%gather3A_1192] in [0] : vector<16xf32>, vector<16xi32> -> vector<16xf32>
    %broadcast_in_dim3A_1194 = vector.shape_cast %broadcast_in_dim3A_1190 : vector<16xi32> to vector<16x1xi32>
    %gather3A_1195 = vector.shape_cast %broadcast_in_dim3A_1194 : vector<16x1xi32> to vector<16xi32>
    %gather3A_1196 = tpu.dynamic_gather %select_n3A_1040[%gather3A_1195] in [0] : vector<16xf32>, vector<16xi32> -> vector<16xf32>
    %eq3A_1197 = arith.cmpf oeq, %gather3A_1193, %convert_element_type3A_1041 : vector<16xf32>
    %gt3A_1198 = arith.cmpf ogt, %gather3A_1196, %select_n3A_1040 : vector<16xf32>
    %eq3A_1199 = arith.cmpf oeq, %gather3A_1196, %select_n3A_1040 : vector<16xf32>
    %lt3A_1200 = arith.cmpi slt, %broadcast_in_dim3A_1190, %iota3A_1042 : vector<16xi32>
    %and3A_1201 = arith.andi %eq3A_1199, %lt3A_1200 : vector<16xi1>
    %or3A_1202 = arith.ori %gt3A_1198, %and3A_1201 : vector<16xi1>
    %and3A_1203 = arith.andi %eq3A_1197, %or3A_1202 : vector<16xi1>
    %or3A_1204 = arith.ori %or3A_1188, %and3A_1203 : vector<16xi1>
    %broadcast_in_dim3A_1205 = arith.constant 10 : i32
    %broadcast_in_dim3A_1206 = vector.broadcast %broadcast_in_dim3A_1205 : i32 to vector<16xi32>
    %broadcast_in_dim3A_1207 = vector.shape_cast %broadcast_in_dim3A_1206 : vector<16xi32> to vector<16x1xi32>
    %gather3A_1208 = vector.shape_cast %broadcast_in_dim3A_1207 : vector<16x1xi32> to vector<16xi32>
    %gather3A_1209 = tpu.dynamic_gather %convert_element_type3A_1041[%gather3A_1208] in [0] : vector<16xf32>, vector<16xi32> -> vector<16xf32>
    %broadcast_in_dim3A_1210 = vector.shape_cast %broadcast_in_dim3A_1206 : vector<16xi32> to vector<16x1xi32>
    %gather3A_1211 = vector.shape_cast %broadcast_in_dim3A_1210 : vector<16x1xi32> to vector<16xi32>
    %gather3A_1212 = tpu.dynamic_gather %select_n3A_1040[%gather3A_1211] in [0] : vector<16xf32>, vector<16xi32> -> vector<16xf32>
    %eq3A_1213 = arith.cmpf oeq, %gather3A_1209, %convert_element_type3A_1041 : vector<16xf32>
    %gt3A_1214 = arith.cmpf ogt, %gather3A_1212, %select_n3A_1040 : vector<16xf32>
    %eq3A_1215 = arith.cmpf oeq, %gather3A_1212, %select_n3A_1040 : vector<16xf32>
    %lt3A_1216 = arith.cmpi slt, %broadcast_in_dim3A_1206, %iota3A_1042 : vector<16xi32>
    %and3A_1217 = arith.andi %eq3A_1215, %lt3A_1216 : vector<16xi1>
    %or3A_1218 = arith.ori %gt3A_1214, %and3A_1217 : vector<16xi1>
    %and3A_1219 = arith.andi %eq3A_1213, %or3A_1218 : vector<16xi1>
    %or3A_1220 = arith.ori %or3A_1204, %and3A_1219 : vector<16xi1>
    %broadcast_in_dim3A_1221 = arith.constant 11 : i32
    %broadcast_in_dim3A_1222 = vector.broadcast %broadcast_in_dim3A_1221 : i32 to vector<16xi32>
    %broadcast_in_dim3A_1223 = vector.shape_cast %broadcast_in_dim3A_1222 : vector<16xi32> to vector<16x1xi32>
    %gather3A_1224 = vector.shape_cast %broadcast_in_dim3A_1223 : vector<16x1xi32> to vector<16xi32>
    %gather3A_1225 = tpu.dynamic_gather %convert_element_type3A_1041[%gather3A_1224] in [0] : vector<16xf32>, vector<16xi32> -> vector<16xf32>
    %broadcast_in_dim3A_1226 = vector.shape_cast %broadcast_in_dim3A_1222 : vector<16xi32> to vector<16x1xi32>
    %gather3A_1227 = vector.shape_cast %broadcast_in_dim3A_1226 : vector<16x1xi32> to vector<16xi32>
    %gather3A_1228 = tpu.dynamic_gather %select_n3A_1040[%gather3A_1227] in [0] : vector<16xf32>, vector<16xi32> -> vector<16xf32>
    %eq3A_1229 = arith.cmpf oeq, %gather3A_1225, %convert_element_type3A_1041 : vector<16xf32>
    %gt3A_1230 = arith.cmpf ogt, %gather3A_1228, %select_n3A_1040 : vector<16xf32>
    %eq3A_1231 = arith.cmpf oeq, %gather3A_1228, %select_n3A_1040 : vector<16xf32>
    %lt3A_1232 = arith.cmpi slt, %broadcast_in_dim3A_1222, %iota3A_1042 : vector<16xi32>
    %and3A_1233 = arith.andi %eq3A_1231, %lt3A_1232 : vector<16xi1>
    %or3A_1234 = arith.ori %gt3A_1230, %and3A_1233 : vector<16xi1>
    %and3A_1235 = arith.andi %eq3A_1229, %or3A_1234 : vector<16xi1>
    %or3A_1236 = arith.ori %or3A_1220, %and3A_1235 : vector<16xi1>
    %broadcast_in_dim3A_1237 = arith.constant 12 : i32
    %broadcast_in_dim3A_1238 = vector.broadcast %broadcast_in_dim3A_1237 : i32 to vector<16xi32>
    %broadcast_in_dim3A_1239 = vector.shape_cast %broadcast_in_dim3A_1238 : vector<16xi32> to vector<16x1xi32>
    %gather3A_1240 = vector.shape_cast %broadcast_in_dim3A_1239 : vector<16x1xi32> to vector<16xi32>
    %gather3A_1241 = tpu.dynamic_gather %convert_element_type3A_1041[%gather3A_1240] in [0] : vector<16xf32>, vector<16xi32> -> vector<16xf32>
    %broadcast_in_dim3A_1242 = vector.shape_cast %broadcast_in_dim3A_1238 : vector<16xi32> to vector<16x1xi32>
    %gather3A_1243 = vector.shape_cast %broadcast_in_dim3A_1242 : vector<16x1xi32> to vector<16xi32>
    %gather3A_1244 = tpu.dynamic_gather %select_n3A_1040[%gather3A_1243] in [0] : vector<16xf32>, vector<16xi32> -> vector<16xf32>
    %eq3A_1245 = arith.cmpf oeq, %gather3A_1241, %convert_element_type3A_1041 : vector<16xf32>
    %gt3A_1246 = arith.cmpf ogt, %gather3A_1244, %select_n3A_1040 : vector<16xf32>
    %eq3A_1247 = arith.cmpf oeq, %gather3A_1244, %select_n3A_1040 : vector<16xf32>
    %lt3A_1248 = arith.cmpi slt, %broadcast_in_dim3A_1238, %iota3A_1042 : vector<16xi32>
    %and3A_1249 = arith.andi %eq3A_1247, %lt3A_1248 : vector<16xi1>
    %or3A_1250 = arith.ori %gt3A_1246, %and3A_1249 : vector<16xi1>
    %and3A_1251 = arith.andi %eq3A_1245, %or3A_1250 : vector<16xi1>
    %or3A_1252 = arith.ori %or3A_1236, %and3A_1251 : vector<16xi1>
    %broadcast_in_dim3A_1253 = arith.constant 13 : i32
    %broadcast_in_dim3A_1254 = vector.broadcast %broadcast_in_dim3A_1253 : i32 to vector<16xi32>
    %broadcast_in_dim3A_1255 = vector.shape_cast %broadcast_in_dim3A_1254 : vector<16xi32> to vector<16x1xi32>
    %gather3A_1256 = vector.shape_cast %broadcast_in_dim3A_1255 : vector<16x1xi32> to vector<16xi32>
    %gather3A_1257 = tpu.dynamic_gather %convert_element_type3A_1041[%gather3A_1256] in [0] : vector<16xf32>, vector<16xi32> -> vector<16xf32>
    %broadcast_in_dim3A_1258 = vector.shape_cast %broadcast_in_dim3A_1254 : vector<16xi32> to vector<16x1xi32>
    %gather3A_1259 = vector.shape_cast %broadcast_in_dim3A_1258 : vector<16x1xi32> to vector<16xi32>
    %gather3A_1260 = tpu.dynamic_gather %select_n3A_1040[%gather3A_1259] in [0] : vector<16xf32>, vector<16xi32> -> vector<16xf32>
    %eq3A_1261 = arith.cmpf oeq, %gather3A_1257, %convert_element_type3A_1041 : vector<16xf32>
    %gt3A_1262 = arith.cmpf ogt, %gather3A_1260, %select_n3A_1040 : vector<16xf32>
    %eq3A_1263 = arith.cmpf oeq, %gather3A_1260, %select_n3A_1040 : vector<16xf32>
    %lt3A_1264 = arith.cmpi slt, %broadcast_in_dim3A_1254, %iota3A_1042 : vector<16xi32>
    %and3A_1265 = arith.andi %eq3A_1263, %lt3A_1264 : vector<16xi1>
    %or3A_1266 = arith.ori %gt3A_1262, %and3A_1265 : vector<16xi1>
    %and3A_1267 = arith.andi %eq3A_1261, %or3A_1266 : vector<16xi1>
    %or3A_1268 = arith.ori %or3A_1252, %and3A_1267 : vector<16xi1>
    %broadcast_in_dim3A_1269 = arith.constant 14 : i32
    %broadcast_in_dim3A_1270 = vector.broadcast %broadcast_in_dim3A_1269 : i32 to vector<16xi32>
    %broadcast_in_dim3A_1271 = vector.shape_cast %broadcast_in_dim3A_1270 : vector<16xi32> to vector<16x1xi32>
    %gather3A_1272 = vector.shape_cast %broadcast_in_dim3A_1271 : vector<16x1xi32> to vector<16xi32>
    %gather3A_1273 = tpu.dynamic_gather %convert_element_type3A_1041[%gather3A_1272] in [0] : vector<16xf32>, vector<16xi32> -> vector<16xf32>
    %broadcast_in_dim3A_1274 = vector.shape_cast %broadcast_in_dim3A_1270 : vector<16xi32> to vector<16x1xi32>
    %gather3A_1275 = vector.shape_cast %broadcast_in_dim3A_1274 : vector<16x1xi32> to vector<16xi32>
    %gather3A_1276 = tpu.dynamic_gather %select_n3A_1040[%gather3A_1275] in [0] : vector<16xf32>, vector<16xi32> -> vector<16xf32>
    %eq3A_1277 = arith.cmpf oeq, %gather3A_1273, %convert_element_type3A_1041 : vector<16xf32>
    %gt3A_1278 = arith.cmpf ogt, %gather3A_1276, %select_n3A_1040 : vector<16xf32>
    %eq3A_1279 = arith.cmpf oeq, %gather3A_1276, %select_n3A_1040 : vector<16xf32>
    %lt3A_1280 = arith.cmpi slt, %broadcast_in_dim3A_1270, %iota3A_1042 : vector<16xi32>
    %and3A_1281 = arith.andi %eq3A_1279, %lt3A_1280 : vector<16xi1>
    %or3A_1282 = arith.ori %gt3A_1278, %and3A_1281 : vector<16xi1>
    %and3A_1283 = arith.andi %eq3A_1277, %or3A_1282 : vector<16xi1>
    %or3A_1284 = arith.ori %or3A_1268, %and3A_1283 : vector<16xi1>
    %broadcast_in_dim3A_1285 = arith.constant 15 : i32
    %broadcast_in_dim3A_1286 = vector.broadcast %broadcast_in_dim3A_1285 : i32 to vector<16xi32>
    %broadcast_in_dim3A_1287 = vector.shape_cast %broadcast_in_dim3A_1286 : vector<16xi32> to vector<16x1xi32>
    %gather3A_1288 = vector.shape_cast %broadcast_in_dim3A_1287 : vector<16x1xi32> to vector<16xi32>
    %gather3A_1289 = tpu.dynamic_gather %convert_element_type3A_1041[%gather3A_1288] in [0] : vector<16xf32>, vector<16xi32> -> vector<16xf32>
    %broadcast_in_dim3A_1290 = vector.shape_cast %broadcast_in_dim3A_1286 : vector<16xi32> to vector<16x1xi32>
    %gather3A_1291 = vector.shape_cast %broadcast_in_dim3A_1290 : vector<16x1xi32> to vector<16xi32>
    %gather3A_1292 = tpu.dynamic_gather %select_n3A_1040[%gather3A_1291] in [0] : vector<16xf32>, vector<16xi32> -> vector<16xf32>
    %eq3A_1293 = arith.cmpf oeq, %gather3A_1289, %convert_element_type3A_1041 : vector<16xf32>
    %gt3A_1294 = arith.cmpf ogt, %gather3A_1292, %select_n3A_1040 : vector<16xf32>
    %eq3A_1295 = arith.cmpf oeq, %gather3A_1292, %select_n3A_1040 : vector<16xf32>
    %lt3A_1296 = arith.cmpi slt, %broadcast_in_dim3A_1286, %iota3A_1042 : vector<16xi32>
    %and3A_1297 = arith.andi %eq3A_1295, %lt3A_1296 : vector<16xi1>
    %or3A_1298 = arith.ori %gt3A_1294, %and3A_1297 : vector<16xi1>
    %and3A_1299 = arith.andi %eq3A_1293, %or3A_1298 : vector<16xi1>
    %or3A_1300 = arith.ori %or3A_1284, %and3A_1299 : vector<16xi1>
    %not3A_1301 = arith.constant dense<true> : vector<16xi1>
    %not3A_1302 = arith.xori %or3A_1300, %not3A_1301 : vector<16xi1>
    %and3A_1303 = arith.andi %and3A_1037, %not3A_1302 : vector<16xi1>
    %select_n3A_1304 = arith.select %gt3A_1026, %gather3A_874, %gather3A_854 : vector<16xi1>, vector<16xf32>
    %select_n3A_1305 = arith.select %gt3A_1026, %gather3A_878, %gather3A_858 : vector<16xi1>, vector<16xf32>
    %select_n3A_1306 = arith.select %gt3A_1026, %gather3A_882, %gather3A_862 : vector<16xi1>, vector<16xf32>
    %select_n3A_1307 = arith.select %gt3A_1026, %gather3A_886, %gather3A_866 : vector<16xi1>, vector<16xf32>
    %select_n3A_1308 = arith.select %gt3A_1026, %gather3A_890, %gather3A_870 : vector<16xi1>, vector<16xf32>
    %sub3A_1309 = arith.subf %select_n3A_1304, %sub3A_837 : vector<16xf32>
    %sub3A_1310 = arith.subf %select_n3A_1305, %sub3A_838 : vector<16xf32>
    %mul3A_1311 = arith.mulf %sub3A_1309, %sub3A_1309 : vector<16xf32>
    %mul3A_1312 = arith.mulf %sub3A_1310, %sub3A_1310 : vector<16xf32>
    %add3A_1313 = arith.addf %mul3A_1311, %mul3A_1312 : vector<16xf32>
    %mul3A_1314 = arith.constant 5.000000e+00 : f32
    %mul3A_1315 = vector.broadcast %mul3A_1314 : f32 to vector<16xf32>
    %mul3A_1316 = arith.mulf %mul3A_1315, %add3A_1313 : vector<16xf32>
    %bitcast3A_1317 = vector.bitcast %select_n3A_1306 : vector<16xf32> to vector<16xi32>
    %shift_right_arithmetic3A_1318 = arith.constant 1 : i32
    %shift_right_arithmetic3A_1319 = vector.broadcast %shift_right_arithmetic3A_1318 : i32 to vector<16xi32>
    %shift_right_arithmetic3A_1320 = arith.shrsi %bitcast3A_1317, %shift_right_arithmetic3A_1319 : vector<16xi32>
    %add3A_1321 = arith.constant 532487670 : i32
    %add3A_1322 = vector.broadcast %add3A_1321 : i32 to vector<16xi32>
    %add3A_1323 = arith.addi %shift_right_arithmetic3A_1320, %add3A_1322 : vector<16xi32>
    %bitcast3A_1324 = vector.bitcast %add3A_1323 : vector<16xi32> to vector<16xf32>
    %div3A_1325 = arith.divf %select_n3A_1306, %bitcast3A_1324 : vector<16xf32>
    %add3A_1326 = arith.addf %bitcast3A_1324, %div3A_1325 : vector<16xf32>
    %mul3A_1327 = arith.constant 5.000000e-01 : f32
    %mul3A_1328 = vector.broadcast %mul3A_1327 : f32 to vector<16xf32>
    %mul3A_1329 = arith.mulf %mul3A_1328, %add3A_1326 : vector<16xf32>
    %div3A_1330 = arith.divf %select_n3A_1306, %mul3A_1329 : vector<16xf32>
    %add3A_1331 = arith.addf %mul3A_1329, %div3A_1330 : vector<16xf32>
    %mul3A_1332 = arith.constant 5.000000e-01 : f32
    %mul3A_1333 = vector.broadcast %mul3A_1332 : f32 to vector<16xf32>
    %mul3A_1334 = arith.mulf %mul3A_1333, %add3A_1331 : vector<16xf32>
    %div3A_1335 = arith.divf %select_n3A_1306, %mul3A_1334 : vector<16xf32>
    %add3A_1336 = arith.addf %mul3A_1334, %div3A_1335 : vector<16xf32>
    %mul3A_1337 = arith.constant 5.000000e-01 : f32
    %mul3A_1338 = vector.broadcast %mul3A_1337 : f32 to vector<16xf32>
    %mul3A_1339 = arith.mulf %mul3A_1338, %add3A_1336 : vector<16xf32>
    %bitcast3A_1340 = vector.bitcast %sub3A_815 : vector<16xf32> to vector<16xi32>
    %shift_right_arithmetic3A_1341 = arith.constant 1 : i32
    %shift_right_arithmetic3A_1342 = vector.broadcast %shift_right_arithmetic3A_1341 : i32 to vector<16xi32>
    %shift_right_arithmetic3A_1343 = arith.shrsi %bitcast3A_1340, %shift_right_arithmetic3A_1342 : vector<16xi32>
    %add3A_1344 = arith.constant 532487670 : i32
    %add3A_1345 = vector.broadcast %add3A_1344 : i32 to vector<16xi32>
    %add3A_1346 = arith.addi %shift_right_arithmetic3A_1343, %add3A_1345 : vector<16xi32>
    %bitcast3A_1347 = vector.bitcast %add3A_1346 : vector<16xi32> to vector<16xf32>
    %div3A_1348 = arith.divf %sub3A_815, %bitcast3A_1347 : vector<16xf32>
    %add3A_1349 = arith.addf %bitcast3A_1347, %div3A_1348 : vector<16xf32>
    %mul3A_1350 = arith.constant 5.000000e-01 : f32
    %mul3A_1351 = vector.broadcast %mul3A_1350 : f32 to vector<16xf32>
    %mul3A_1352 = arith.mulf %mul3A_1351, %add3A_1349 : vector<16xf32>
    %div3A_1353 = arith.divf %sub3A_815, %mul3A_1352 : vector<16xf32>
    %add3A_1354 = arith.addf %mul3A_1352, %div3A_1353 : vector<16xf32>
    %mul3A_1355 = arith.constant 5.000000e-01 : f32
    %mul3A_1356 = vector.broadcast %mul3A_1355 : f32 to vector<16xf32>
    %mul3A_1357 = arith.mulf %mul3A_1356, %add3A_1354 : vector<16xf32>
    %div3A_1358 = arith.divf %sub3A_815, %mul3A_1357 : vector<16xf32>
    %add3A_1359 = arith.addf %mul3A_1357, %div3A_1358 : vector<16xf32>
    %mul3A_1360 = arith.constant 5.000000e-01 : f32
    %mul3A_1361 = vector.broadcast %mul3A_1360 : f32 to vector<16xf32>
    %mul3A_1362 = arith.mulf %mul3A_1361, %add3A_1359 : vector<16xf32>
    %sub3A_1363 = arith.subf %mul3A_1339, %mul3A_1362 : vector<16xf32>
    %bitcast3A_1364 = vector.bitcast %select_n3A_1307 : vector<16xf32> to vector<16xi32>
    %shift_right_arithmetic3A_1365 = arith.constant 1 : i32
    %shift_right_arithmetic3A_1366 = vector.broadcast %shift_right_arithmetic3A_1365 : i32 to vector<16xi32>
    %shift_right_arithmetic3A_1367 = arith.shrsi %bitcast3A_1364, %shift_right_arithmetic3A_1366 : vector<16xi32>
    %add3A_1368 = arith.constant 532487670 : i32
    %add3A_1369 = vector.broadcast %add3A_1368 : i32 to vector<16xi32>
    %add3A_1370 = arith.addi %shift_right_arithmetic3A_1367, %add3A_1369 : vector<16xi32>
    %bitcast3A_1371 = vector.bitcast %add3A_1370 : vector<16xi32> to vector<16xf32>
    %div3A_1372 = arith.divf %select_n3A_1307, %bitcast3A_1371 : vector<16xf32>
    %add3A_1373 = arith.addf %bitcast3A_1371, %div3A_1372 : vector<16xf32>
    %mul3A_1374 = arith.constant 5.000000e-01 : f32
    %mul3A_1375 = vector.broadcast %mul3A_1374 : f32 to vector<16xf32>
    %mul3A_1376 = arith.mulf %mul3A_1375, %add3A_1373 : vector<16xf32>
    %div3A_1377 = arith.divf %select_n3A_1307, %mul3A_1376 : vector<16xf32>
    %add3A_1378 = arith.addf %mul3A_1376, %div3A_1377 : vector<16xf32>
    %mul3A_1379 = arith.constant 5.000000e-01 : f32
    %mul3A_1380 = vector.broadcast %mul3A_1379 : f32 to vector<16xf32>
    %mul3A_1381 = arith.mulf %mul3A_1380, %add3A_1378 : vector<16xf32>
    %div3A_1382 = arith.divf %select_n3A_1307, %mul3A_1381 : vector<16xf32>
    %add3A_1383 = arith.addf %mul3A_1381, %div3A_1382 : vector<16xf32>
    %mul3A_1384 = arith.constant 5.000000e-01 : f32
    %mul3A_1385 = vector.broadcast %mul3A_1384 : f32 to vector<16xf32>
    %mul3A_1386 = arith.mulf %mul3A_1385, %add3A_1383 : vector<16xf32>
    %bitcast3A_1387 = vector.bitcast %sub3A_816 : vector<16xf32> to vector<16xi32>
    %shift_right_arithmetic3A_1388 = arith.constant 1 : i32
    %shift_right_arithmetic3A_1389 = vector.broadcast %shift_right_arithmetic3A_1388 : i32 to vector<16xi32>
    %shift_right_arithmetic3A_1390 = arith.shrsi %bitcast3A_1387, %shift_right_arithmetic3A_1389 : vector<16xi32>
    %add3A_1391 = arith.constant 532487670 : i32
    %add3A_1392 = vector.broadcast %add3A_1391 : i32 to vector<16xi32>
    %add3A_1393 = arith.addi %shift_right_arithmetic3A_1390, %add3A_1392 : vector<16xi32>
    %bitcast3A_1394 = vector.bitcast %add3A_1393 : vector<16xi32> to vector<16xf32>
    %div3A_1395 = arith.divf %sub3A_816, %bitcast3A_1394 : vector<16xf32>
    %add3A_1396 = arith.addf %bitcast3A_1394, %div3A_1395 : vector<16xf32>
    %mul3A_1397 = arith.constant 5.000000e-01 : f32
    %mul3A_1398 = vector.broadcast %mul3A_1397 : f32 to vector<16xf32>
    %mul3A_1399 = arith.mulf %mul3A_1398, %add3A_1396 : vector<16xf32>
    %div3A_1400 = arith.divf %sub3A_816, %mul3A_1399 : vector<16xf32>
    %add3A_1401 = arith.addf %mul3A_1399, %div3A_1400 : vector<16xf32>
    %mul3A_1402 = arith.constant 5.000000e-01 : f32
    %mul3A_1403 = vector.broadcast %mul3A_1402 : f32 to vector<16xf32>
    %mul3A_1404 = arith.mulf %mul3A_1403, %add3A_1401 : vector<16xf32>
    %div3A_1405 = arith.divf %sub3A_816, %mul3A_1404 : vector<16xf32>
    %add3A_1406 = arith.addf %mul3A_1404, %div3A_1405 : vector<16xf32>
    %mul3A_1407 = arith.constant 5.000000e-01 : f32
    %mul3A_1408 = vector.broadcast %mul3A_1407 : f32 to vector<16xf32>
    %mul3A_1409 = arith.mulf %mul3A_1408, %add3A_1406 : vector<16xf32>
    %sub3A_1410 = arith.subf %mul3A_1386, %mul3A_1409 : vector<16xf32>
    %mul3A_1411 = arith.mulf %sub3A_1363, %sub3A_1363 : vector<16xf32>
    %mul3A_1412 = arith.mulf %sub3A_1410, %sub3A_1410 : vector<16xf32>
    %add3A_1413 = arith.addf %mul3A_1411, %mul3A_1412 : vector<16xf32>
    %mul3A_1414 = arith.constant 5.000000e+00 : f32
    %mul3A_1415 = vector.broadcast %mul3A_1414 : f32 to vector<16xf32>
    %mul3A_1416 = arith.mulf %mul3A_1415, %add3A_1413 : vector<16xf32>
    %sub3A_1417 = arith.subf %select_n3A_1308, %max3A_1027 : vector<16xf32>
    %mul3A_1418 = arith.mulf %sub3A_1417, %sub3A_1417 : vector<16xf32>
    %mul3A_1419 = arith.constant -5.000000e-01 : f32
    %mul3A_1420 = vector.broadcast %mul3A_1419 : f32 to vector<16xf32>
    %mul3A_1421 = arith.mulf %mul3A_1420, %select_n3A_1308 : vector<16xf32>
    %mul3A_1422 = arith.mulf %mul3A_1421, %select_n3A_1308 : vector<16xf32>
    %broadcast_in_dim3A_1423 = arith.constant 0.000000e+00 : f32
    %broadcast_in_dim3A_1424 = vector.broadcast %broadcast_in_dim3A_1423 : f32 to vector<16xf32>
    %add3A_1425 = arith.constant 2880 : i32
    %add3A_1426 = vector.broadcast %add3A_1425 : i32 to vector<16xi32>
    %add3A_1427 = arith.addi %add3A_1426, %min3A_849 : vector<16xi32>
    %gather3A_1428 = tpu.vector_load_idx %arg4[%add3A_1427] : memref<4480xf32, #tpu.memory_space<vmem>>[vector<16xi32>], vector<16xf32>,
    %mul3A_1429 = arith.mulf %gather3A_1428, %gather3A_1428 : vector<16xf32>
    %add3A_1430 = arith.addf %broadcast_in_dim3A_1424, %mul3A_1429 : vector<16xf32>
    %add3A_1431 = arith.constant 2944 : i32
    %add3A_1432 = vector.broadcast %add3A_1431 : i32 to vector<16xi32>
    %add3A_1433 = arith.addi %add3A_1432, %min3A_849 : vector<16xi32>
    %gather3A_1434 = tpu.vector_load_idx %arg4[%add3A_1433] : memref<4480xf32, #tpu.memory_space<vmem>>[vector<16xi32>], vector<16xf32>,
    %mul3A_1435 = arith.mulf %gather3A_1434, %gather3A_1434 : vector<16xf32>
    %add3A_1436 = arith.addf %add3A_1430, %mul3A_1435 : vector<16xf32>
    %add3A_1437 = arith.constant 3008 : i32
    %add3A_1438 = vector.broadcast %add3A_1437 : i32 to vector<16xi32>
    %add3A_1439 = arith.addi %add3A_1438, %min3A_849 : vector<16xi32>
    %gather3A_1440 = tpu.vector_load_idx %arg4[%add3A_1439] : memref<4480xf32, #tpu.memory_space<vmem>>[vector<16xi32>], vector<16xf32>,
    %mul3A_1441 = arith.mulf %gather3A_1440, %gather3A_1440 : vector<16xf32>
    %add3A_1442 = arith.addf %add3A_1436, %mul3A_1441 : vector<16xf32>
    %add3A_1443 = arith.constant 3072 : i32
    %add3A_1444 = vector.broadcast %add3A_1443 : i32 to vector<16xi32>
    %add3A_1445 = arith.addi %add3A_1444, %min3A_849 : vector<16xi32>
    %gather3A_1446 = tpu.vector_load_idx %arg4[%add3A_1445] : memref<4480xf32, #tpu.memory_space<vmem>>[vector<16xi32>], vector<16xf32>,
    %mul3A_1447 = arith.mulf %gather3A_1446, %gather3A_1446 : vector<16xf32>
    %add3A_1448 = arith.addf %add3A_1442, %mul3A_1447 : vector<16xf32>
    %add3A_1449 = arith.constant 3136 : i32
    %add3A_1450 = vector.broadcast %add3A_1449 : i32 to vector<16xi32>
    %add3A_1451 = arith.addi %add3A_1450, %min3A_849 : vector<16xi32>
    %gather3A_1452 = tpu.vector_load_idx %arg4[%add3A_1451] : memref<4480xf32, #tpu.memory_space<vmem>>[vector<16xi32>], vector<16xf32>,
    %mul3A_1453 = arith.mulf %gather3A_1452, %gather3A_1452 : vector<16xf32>
    %add3A_1454 = arith.addf %add3A_1448, %mul3A_1453 : vector<16xf32>
    %add3A_1455 = arith.constant 3200 : i32
    %add3A_1456 = vector.broadcast %add3A_1455 : i32 to vector<16xi32>
    %add3A_1457 = arith.addi %add3A_1456, %min3A_849 : vector<16xi32>
    %gather3A_1458 = tpu.vector_load_idx %arg4[%add3A_1457] : memref<4480xf32, #tpu.memory_space<vmem>>[vector<16xi32>], vector<16xf32>,
    %mul3A_1459 = arith.mulf %gather3A_1458, %gather3A_1458 : vector<16xf32>
    %add3A_1460 = arith.addf %add3A_1454, %mul3A_1459 : vector<16xf32>
    %add3A_1461 = arith.constant 3264 : i32
    %add3A_1462 = vector.broadcast %add3A_1461 : i32 to vector<16xi32>
    %add3A_1463 = arith.addi %add3A_1462, %min3A_849 : vector<16xi32>
    %gather3A_1464 = tpu.vector_load_idx %arg4[%add3A_1463] : memref<4480xf32, #tpu.memory_space<vmem>>[vector<16xi32>], vector<16xf32>,
    %mul3A_1465 = arith.mulf %gather3A_1464, %gather3A_1464 : vector<16xf32>
    %add3A_1466 = arith.addf %add3A_1460, %mul3A_1465 : vector<16xf32>
    %add3A_1467 = arith.constant 3328 : i32
    %add3A_1468 = vector.broadcast %add3A_1467 : i32 to vector<16xi32>
    %add3A_1469 = arith.addi %add3A_1468, %min3A_849 : vector<16xi32>
    %gather3A_1470 = tpu.vector_load_idx %arg4[%add3A_1469] : memref<4480xf32, #tpu.memory_space<vmem>>[vector<16xi32>], vector<16xf32>,
    %mul3A_1471 = arith.mulf %gather3A_1470, %gather3A_1470 : vector<16xf32>
    %add3A_1472 = arith.addf %add3A_1466, %mul3A_1471 : vector<16xf32>
    %add3A_1473 = arith.constant 3392 : i32
    %add3A_1474 = vector.broadcast %add3A_1473 : i32 to vector<16xi32>
    %add3A_1475 = arith.addi %add3A_1474, %min3A_849 : vector<16xi32>
    %gather3A_1476 = tpu.vector_load_idx %arg4[%add3A_1475] : memref<4480xf32, #tpu.memory_space<vmem>>[vector<16xi32>], vector<16xf32>,
    %mul3A_1477 = arith.mulf %gather3A_1476, %gather3A_1476 : vector<16xf32>
    %add3A_1478 = arith.addf %add3A_1472, %mul3A_1477 : vector<16xf32>
    %add3A_1479 = arith.constant 3456 : i32
    %add3A_1480 = vector.broadcast %add3A_1479 : i32 to vector<16xi32>
    %add3A_1481 = arith.addi %add3A_1480, %min3A_849 : vector<16xi32>
    %gather3A_1482 = tpu.vector_load_idx %arg4[%add3A_1481] : memref<4480xf32, #tpu.memory_space<vmem>>[vector<16xi32>], vector<16xf32>,
    %mul3A_1483 = arith.mulf %gather3A_1482, %gather3A_1482 : vector<16xf32>
    %add3A_1484 = arith.addf %add3A_1478, %mul3A_1483 : vector<16xf32>
    %add3A_1485 = arith.constant 3520 : i32
    %add3A_1486 = vector.broadcast %add3A_1485 : i32 to vector<16xi32>
    %add3A_1487 = arith.addi %add3A_1486, %min3A_849 : vector<16xi32>
    %gather3A_1488 = tpu.vector_load_idx %arg4[%add3A_1487] : memref<4480xf32, #tpu.memory_space<vmem>>[vector<16xi32>], vector<16xf32>,
    %mul3A_1489 = arith.mulf %gather3A_1488, %gather3A_1488 : vector<16xf32>
    %add3A_1490 = arith.addf %add3A_1484, %mul3A_1489 : vector<16xf32>
    %add3A_1491 = arith.constant 3584 : i32
    %add3A_1492 = vector.broadcast %add3A_1491 : i32 to vector<16xi32>
    %add3A_1493 = arith.addi %add3A_1492, %min3A_849 : vector<16xi32>
    %gather3A_1494 = tpu.vector_load_idx %arg4[%add3A_1493] : memref<4480xf32, #tpu.memory_space<vmem>>[vector<16xi32>], vector<16xf32>,
    %mul3A_1495 = arith.mulf %gather3A_1494, %gather3A_1494 : vector<16xf32>
    %add3A_1496 = arith.addf %add3A_1490, %mul3A_1495 : vector<16xf32>
    %add3A_1497 = arith.constant 3648 : i32
    %add3A_1498 = vector.broadcast %add3A_1497 : i32 to vector<16xi32>
    %add3A_1499 = arith.addi %add3A_1498, %min3A_849 : vector<16xi32>
    %gather3A_1500 = tpu.vector_load_idx %arg4[%add3A_1499] : memref<4480xf32, #tpu.memory_space<vmem>>[vector<16xi32>], vector<16xf32>,
    %mul3A_1501 = arith.mulf %gather3A_1500, %gather3A_1500 : vector<16xf32>
    %add3A_1502 = arith.addf %add3A_1496, %mul3A_1501 : vector<16xf32>
    %add3A_1503 = arith.constant 3712 : i32
    %add3A_1504 = vector.broadcast %add3A_1503 : i32 to vector<16xi32>
    %add3A_1505 = arith.addi %add3A_1504, %min3A_849 : vector<16xi32>
    %gather3A_1506 = tpu.vector_load_idx %arg4[%add3A_1505] : memref<4480xf32, #tpu.memory_space<vmem>>[vector<16xi32>], vector<16xf32>,
    %mul3A_1507 = arith.mulf %gather3A_1506, %gather3A_1506 : vector<16xf32>
    %add3A_1508 = arith.addf %add3A_1502, %mul3A_1507 : vector<16xf32>
    %add3A_1509 = arith.constant 3776 : i32
    %add3A_1510 = vector.broadcast %add3A_1509 : i32 to vector<16xi32>
    %add3A_1511 = arith.addi %add3A_1510, %min3A_849 : vector<16xi32>
    %gather3A_1512 = tpu.vector_load_idx %arg4[%add3A_1511] : memref<4480xf32, #tpu.memory_space<vmem>>[vector<16xi32>], vector<16xf32>,
    %mul3A_1513 = arith.mulf %gather3A_1512, %gather3A_1512 : vector<16xf32>
    %add3A_1514 = arith.addf %add3A_1508, %mul3A_1513 : vector<16xf32>
    %add3A_1515 = arith.constant 3840 : i32
    %add3A_1516 = vector.broadcast %add3A_1515 : i32 to vector<16xi32>
    %add3A_1517 = arith.addi %add3A_1516, %min3A_849 : vector<16xi32>
    %gather3A_1518 = tpu.vector_load_idx %arg4[%add3A_1517] : memref<4480xf32, #tpu.memory_space<vmem>>[vector<16xi32>], vector<16xf32>,
    %mul3A_1519 = arith.mulf %gather3A_1518, %gather3A_1518 : vector<16xf32>
    %add3A_1520 = arith.addf %add3A_1514, %mul3A_1519 : vector<16xf32>
    %add3A_1521 = arith.constant 3904 : i32
    %add3A_1522 = vector.broadcast %add3A_1521 : i32 to vector<16xi32>
    %add3A_1523 = arith.addi %add3A_1522, %min3A_849 : vector<16xi32>
    %gather3A_1524 = tpu.vector_load_idx %arg4[%add3A_1523] : memref<4480xf32, #tpu.memory_space<vmem>>[vector<16xi32>], vector<16xf32>,
    %mul3A_1525 = arith.mulf %gather3A_1524, %gather3A_1524 : vector<16xf32>
    %add3A_1526 = arith.addf %add3A_1520, %mul3A_1525 : vector<16xf32>
    %add3A_1527 = arith.constant 3968 : i32
    %add3A_1528 = vector.broadcast %add3A_1527 : i32 to vector<16xi32>
    %add3A_1529 = arith.addi %add3A_1528, %min3A_849 : vector<16xi32>
    %gather3A_1530 = tpu.vector_load_idx %arg4[%add3A_1529] : memref<4480xf32, #tpu.memory_space<vmem>>[vector<16xi32>], vector<16xf32>,
    %mul3A_1531 = arith.mulf %gather3A_1530, %gather3A_1530 : vector<16xf32>
    %add3A_1532 = arith.addf %add3A_1526, %mul3A_1531 : vector<16xf32>
    %add3A_1533 = arith.constant 4032 : i32
    %add3A_1534 = vector.broadcast %add3A_1533 : i32 to vector<16xi32>
    %add3A_1535 = arith.addi %add3A_1534, %min3A_849 : vector<16xi32>
    %gather3A_1536 = tpu.vector_load_idx %arg4[%add3A_1535] : memref<4480xf32, #tpu.memory_space<vmem>>[vector<16xi32>], vector<16xf32>,
    %mul3A_1537 = arith.mulf %gather3A_1536, %gather3A_1536 : vector<16xf32>
    %add3A_1538 = arith.addf %add3A_1532, %mul3A_1537 : vector<16xf32>
    %add3A_1539 = arith.constant 4096 : i32
    %add3A_1540 = vector.broadcast %add3A_1539 : i32 to vector<16xi32>
    %add3A_1541 = arith.addi %add3A_1540, %min3A_849 : vector<16xi32>
    %gather3A_1542 = tpu.vector_load_idx %arg4[%add3A_1541] : memref<4480xf32, #tpu.memory_space<vmem>>[vector<16xi32>], vector<16xf32>,
    %mul3A_1543 = arith.mulf %gather3A_1542, %gather3A_1542 : vector<16xf32>
    %add3A_1544 = arith.addf %add3A_1538, %mul3A_1543 : vector<16xf32>
    %add3A_1545 = arith.constant 10 : i32
    %add3A_1546 = vector.broadcast %add3A_1545 : i32 to vector<16xi32>
    %add3A_1547 = arith.addi %add3A_1546, %convert_element_type3A_850 : vector<16xi32>
    %mul3A_1548 = arith.constant 64 : i32
    %mul3A_1549 = vector.broadcast %mul3A_1548 : i32 to vector<16xi32>
    %mul3A_1550 = arith.muli %add3A_1547, %mul3A_1549 : vector<16xi32>
    %add3A_1551 = arith.constant 2240 : i32
    %add3A_1552 = vector.broadcast %add3A_1551 : i32 to vector<16xi32>
    %add3A_1553 = arith.addi %add3A_1552, %mul3A_1550 : vector<16xi32>
    %add3A_1554 = arith.addi %add3A_1553, %min3A_849 : vector<16xi32>
    %gather3A_1555 = tpu.vector_load_idx %arg4[%add3A_1554] : memref<4480xf32, #tpu.memory_space<vmem>>[vector<16xi32>], vector<16xf32>,
    %mul3A_1556 = arith.constant 2.000000e+00 : f32
    %mul3A_1557 = vector.broadcast %mul3A_1556 : f32 to vector<16xf32>
    %mul3A_1558 = arith.mulf %mul3A_1557, %gather3A_1555 : vector<16xf32>
    %sub3A_1559 = arith.subf %add3A_1544, %mul3A_1558 : vector<16xf32>
    %add3A_1560 = arith.constant 1.000000e+00 : f32
    %add3A_1561 = vector.broadcast %add3A_1560 : f32 to vector<16xf32>
    %add3A_1562 = arith.addf %sub3A_1559, %add3A_1561 : vector<16xf32>
    %add3A_1563 = arith.addf %mul3A_1316, %mul3A_1416 : vector<16xf32>
    %add3A_1564 = arith.addf %add3A_1563, %mul3A_1418 : vector<16xf32>
    %add3A_1565 = arith.addf %add3A_1564, %mul3A_1422 : vector<16xf32>
    %add3A_1566 = arith.addf %add3A_1565, %add3A_1562 : vector<16xf32>
    %jit3A_1567 = arith.constant 0.000000e+00 : f32
    %broadcast_in_dim3A_1568 = vector.broadcast %jit3A_1567 : f32 to vector<16xf32>
    %select_n3A_1569 = arith.select %and3A_1303, %add3A_1566, %broadcast_in_dim3A_1568 : vector<16xi1>, vector<16xf32>
    %broadcast_in_dim3A_1570 = arith.constant 0.000000e+00 : f32
    %broadcast_in_dim3A_1571 = vector.broadcast %broadcast_in_dim3A_1570 : f32 to vector<16xf32>
    %get3A_1572 = arith.constant 2496 : index
    %get3A_1573 = tpu.vector_load %arg4[%get3A_1572] {strides = array<i32>} : memref<4480xf32, #tpu.memory_space<vmem>>, vector<16xf32>,
    %get3A_1574 = arith.constant 2816 : index
    %get3A_1575 = tpu.vector_load %arg4[%get3A_1574] {strides = array<i32>} : memref<4480xf32, #tpu.memory_space<vmem>>, vector<16xf32>,
    %mul3A_1576 = arith.mulf %get3A_1573, %get3A_1573 : vector<16xf32>
    %add3A_1577 = arith.addf %broadcast_in_dim3A_1571, %mul3A_1576 : vector<16xf32>
    %mul3A_1578 = arith.mulf %get3A_1575, %get3A_1575 : vector<16xf32>
    %add3A_1579 = arith.addf %add3A_1577, %mul3A_1578 : vector<16xf32>
    %get3A_1580 = arith.constant 2512 : index
    %get3A_1581 = tpu.vector_load %arg4[%get3A_1580] {strides = array<i32>} : memref<4480xf32, #tpu.memory_space<vmem>>, vector<16xf32>,
    %get3A_1582 = arith.constant 2832 : index
    %get3A_1583 = tpu.vector_load %arg4[%get3A_1582] {strides = array<i32>} : memref<4480xf32, #tpu.memory_space<vmem>>, vector<16xf32>,
    %mul3A_1584 = arith.mulf %get3A_1581, %get3A_1581 : vector<16xf32>
    %add3A_1585 = arith.addf %add3A_1579, %mul3A_1584 : vector<16xf32>
    %mul3A_1586 = arith.mulf %get3A_1583, %get3A_1583 : vector<16xf32>
    %add3A_1587 = arith.addf %add3A_1585, %mul3A_1586 : vector<16xf32>
    %get3A_1588 = arith.constant 2528 : index
    %get3A_1589 = tpu.vector_load %arg4[%get3A_1588] {strides = array<i32>} : memref<4480xf32, #tpu.memory_space<vmem>>, vector<16xf32>,
    %get3A_1590 = arith.constant 2848 : index
    %get3A_1591 = tpu.vector_load %arg4[%get3A_1590] {strides = array<i32>} : memref<4480xf32, #tpu.memory_space<vmem>>, vector<16xf32>,
    %mul3A_1592 = arith.mulf %get3A_1589, %get3A_1589 : vector<16xf32>
    %add3A_1593 = arith.addf %add3A_1587, %mul3A_1592 : vector<16xf32>
    %mul3A_1594 = arith.mulf %get3A_1591, %get3A_1591 : vector<16xf32>
    %add3A_1595 = arith.addf %add3A_1593, %mul3A_1594 : vector<16xf32>
    %get3A_1596 = arith.constant 2544 : index
    %get3A_1597 = tpu.vector_load %arg4[%get3A_1596] {strides = array<i32>} : memref<4480xf32, #tpu.memory_space<vmem>>, vector<16xf32>,
    %get3A_1598 = arith.constant 2864 : index
    %get3A_1599 = tpu.vector_load %arg4[%get3A_1598] {strides = array<i32>} : memref<4480xf32, #tpu.memory_space<vmem>>, vector<16xf32>,
    %mul3A_1600 = arith.mulf %get3A_1597, %get3A_1597 : vector<16xf32>
    %add3A_1601 = arith.addf %add3A_1595, %mul3A_1600 : vector<16xf32>
    %mul3A_1602 = arith.mulf %get3A_1599, %get3A_1599 : vector<16xf32>
    %add3A_1603 = arith.addf %add3A_1601, %mul3A_1602 : vector<16xf32>
    %mul3A_1604 = arith.constant 5.000000e-01 : f32
    %mul3A_1605 = vector.broadcast %mul3A_1604 : f32 to vector<16xf32>
    %mul3A_1606 = arith.mulf %mul3A_1605, %add3A_1603 : vector<16xf32>
    %add3A_1607 = arith.addf %select_n3A_1569, %mul3A_1606 : vector<16xf32>
    %add3A_1608 = arith.addf %add3A_796, %add3A_1607 : vector<16xf32>
    %reduce_sum3A = arith.constant true
    %reduce_sum3A_1609 = vector.broadcast %reduce_sum3A : i1 to vector<16xi1>
    %reduce_sum3A_1610 = tpu.scan <sum>, %add3A_1608 masked %reduce_sum3A_1609 : vector<16xf32>, vector<16xi1> -> vector<16xf32>
    %reduce_sum3A_1611 = vector.extract %reduce_sum3A_1610[15] : f32 from vector<16xf32>
    %broadcast_in_dim3A_1612 = vector.broadcast %reduce_sum3A_1611 : f32 to vector<16xf32>
    %swap3A = arith.constant 0 : index
    %swap3A_1613 = tpu.vector_load %arg5[%swap3A] {strides = array<i32>} : memref<16xf32, #tpu.memory_space<vmem>>, vector<16xf32>,
    tpu.vector_store %arg5[%swap3A], %broadcast_in_dim3A_1612 {strides = array<i32>} : memref<16xf32, #tpu.memory_space<vmem>>, vector<16xf32>,
    "tpu.region"() ({
      %run_scoped3A = tpu.sem_alloc : memref<!tpu.dma_semaphore, #tpu.memory_space<semaphore_mem>>
      %dma_start3A = arith.constant 0 : i32
      %dma_start3A_1614 = tpu.memref_slice %arg3[%add3A, %dma_start3A] : memref<32x16xf32, #tpu.memory_space<hbm>> -> memref<1x16xf32, #tpu.memory_space<hbm>>
      %dma_start3A_1615 = tpu.memref_squeeze %dma_start3A_1614 : memref<1x16xf32, #tpu.memory_space<hbm>> -> memref<16xf32, #tpu.memory_space<hbm>>
      %dma_start3A_1616 = arith.constant 0 : i32
      %dma_start3A_1617 = tpu.memref_slice %arg3[%add3A, %dma_start3A_1616] : memref<32x16xf32, #tpu.memory_space<hbm>> -> memref<1x16xf32, #tpu.memory_space<hbm>>
      %dma_start3A_1618 = tpu.memref_squeeze %dma_start3A_1617 : memref<1x16xf32, #tpu.memory_space<hbm>> -> memref<16xf32, #tpu.memory_space<hbm>>
      tpu.enqueue_dma source(%arg5 : memref<16xf32, #tpu.memory_space<vmem>>) target(%dma_start3A_1618 : memref<16xf32, #tpu.memory_space<hbm>>) target_semaphore(%run_scoped3A : memref<!tpu.dma_semaphore, #tpu.memory_space<semaphore_mem>>)
      %dma_wait3A = arith.constant 0 : i32
      %dma_wait3A_1619 = tpu.memref_slice %arg3[%add3A, %dma_wait3A] : memref<32x16xf32, #tpu.memory_space<hbm>> -> memref<1x16xf32, #tpu.memory_space<hbm>>
      %dma_wait3A_1620 = tpu.memref_squeeze %dma_wait3A_1619 : memref<1x16xf32, #tpu.memory_space<hbm>> -> memref<16xf32, #tpu.memory_space<hbm>>
      %dma_wait3A_1621 = arith.constant 0 : i32
      %dma_wait3A_1622 = tpu.memref_slice %arg3[%add3A, %dma_wait3A_1621] : memref<32x16xf32, #tpu.memory_space<hbm>> -> memref<1x16xf32, #tpu.memory_space<hbm>>
      %dma_wait3A_1623 = tpu.memref_squeeze %dma_wait3A_1622 : memref<1x16xf32, #tpu.memory_space<hbm>> -> memref<16xf32, #tpu.memory_space<hbm>>
      tpu.wait_dma2 semaphore(%run_scoped3A : memref<!tpu.dma_semaphore, #tpu.memory_space<semaphore_mem>>) src(%arg5 : memref<16xf32, #tpu.memory_space<vmem>>) dst(%dma_wait3A_1623 : memref<16xf32, #tpu.memory_space<hbm>>)
      tpu.yield
    }) : () -> ()
    return
  }
}

</mosaic_0001>

<sc_bundles>
// kernel: _yolo_loss.3.cloned.1.call-start
scs
__scs_entry_jumppad:
0x0: {  	(pc) =	sbr.rel $0x88, $3  }
0x1: {  	(tag) =	ssettag $0x0;
	lr =	simm.s32 $0x1  }
0x2: {  	[smem:$0x3F9F] =	sst lr;
	_ =	strace $0xD0000000  }
0x3: {  	_ = 	snop  }
0x4: {  	_ = 	snop  }
0x5: {  	_ = 	snop  }
0x6: {  	_ = 	snop  }
0x7: {  	_ = 	snop  }
__scs_overlays_trampoline_lowered:
0x8: {  	[smem:$0x3FAE] =	sst s0  }
0x9: {  	[smem:$0x3FAF] =	sst s1  }
0xa: {  	[smem:$0x3FB0] =	sst s2  }
0xb: {  	[smem:$0x3FB1] =	sst s3  }
0xc: {  	[smem:$0x3FB2] =	sst s4  }
0xd: {  	[smem:$0x3FB3] =	sst s5  }
0xe: {  	[smem:$0x3FB4] =	sst s6  }
0xf: {  	[smem:$0x3FB5] =	sst s7  }
0x10: {  	[smem:$0x3FB6] =	sst s8  }
0x11: {  	[smem:$0x3FB7] =	sst s9;
	s0 =	simm.s32 @!p0 $0x0  }
0x12: {  	s1 =	sld [smem:$0x3F9D];
	s0 =	simm.s32 @p0 $0x1  }
0x13: {  	[smem:$0x3FB8] =	sst s0;
	s0 =	simm.s32 @!p1 $0x0  }
0x14: {  	s2 =	sld [smem:$0x3F9C];
	s0 =	simm.s32 @p1 $0x1  }
0x15: {  	[smem:$0x3FB9] =	sst s0;
	s0 =	simm.s32 @!p2 $0x0  }
0x16: {  	s3 =	sld [smem:$0x3FDB];
	s0 =	simm.s32 @p2 $0x1  }
0x17: {  	s4 =	simm.s32 $0x1BF5;
	[smem:$0x3FBB] =	sst s0  }
0x18: {  	s0 =	sld [smem:$0x3F9E];
	_ =	swait.ge [sflag:s4], $0x0  }
0x19: {  	s7 =	sld [smem:$0x3F9F]  }
0x1a: {  	s8 =	sadd.s32 $0xFFFFE003, lr  }
0x1b: {  	s9 =	sadd.s32 $0xFFFFFEF7, lr;
	s5 =	simm.s32 $0xFFFFFFFF;
	p2 =	slt.u32 s8, $0xFFFFF086  }
0x1c: {  	p1 =	slt.u32 s9, $0xF7A;
	s5 =	simm.s32 @!p2 $0x0  }
0x1d: {  	s5 =	simm.s32 @p1 $0x1;
	p0 =	seq.s32 s7, s2  }
0x1e: {  	s7 =	smul.u32 @!p0 $0xF7A, s2;
	p2 =	seq.s32 @!p0 s5, $0x0  }
0x1f: {  	s9 =	smul.u32 $0xF7A, s1;
	s8 =	simm.s32 @!p0 $0x1BF5;
	p2 =	por !p2, p0  }
0x20: {  	[sflag:s8] =	ssyncset.s32 @!p0 $0xFFFFF086;
	s6 =	sadd.s32 @!p0 s3, s7;
	s7 =	simm.s32 @!p0 $0x108  }
0x21: {  	s3 =	sadd.s32 s3, s9;
	s6 =	sadd.s32 @!p0 $0x88, s6;
	s7 =	simm.s32 @p2 $0x1082  }
0x22: {  	[simem:s7], [sflag:s8] =	dma.local @!p0 [hbm:s6], $0xF7A  }
0x23: {  	s9 =	sor.u32 $0xD0000000, s2;
	s6 =	simm.s32 $0x108;
	_ =	swait.ge @!p0 [sflag:s8], $0x0  }
0x24: {  	s3 =	sadd.s32 $0x88, s3;
	s6 =	simm.s32 @!p1 $0x1082;
	[sflag:s4] =	ssyncset.s32 $0xFFFFF086  }
0x25: {  	[simem:s6], [sflag:s4] =	dma.local [hbm:s3], $0xF7A  }
0x26: {  	[smem:$0x3F9F] =	sst s1;
	(tag) =	ssettag s2;
	_ =	strace s9  }
0x27: {  	s1 =	sld [smem:$0x3FAF]  }
0x28: {  	s2 =	sld [smem:$0x3FB0]  }
0x29: {  	s4 =	sld [smem:$0x3FB2]  }
0x2a: {  	p0 =	seq.s32 s5, $0x0;
	s5 =	sld [smem:$0x3FB3]  }
0x2b: {  	s6 =	sld [smem:$0x3FB4]  }
0x2c: {  	s7 =	sld [smem:$0x3FB5]  }
0x2d: {  	s3 =	simm.s32 $0x108;
	s8 =	sld [smem:$0x3FB6]  }
0x2e: {  	s3 =	simm.s32 @!p0 $0x1082;
	s9 =	sld [smem:$0x3FB7]  }
0x2f: {  	lr =	sadd.s32 s0, s3;
	s0 =	sld [smem:$0x3FAE]  }
0x30: {  	s3 =	sld [smem:$0x3FB1]  }
0x31: {  	[smem:$0x3FBA] =	sst s10  }
0x32: {  	s10 =	sld [smem:$0x3FB8];
	_ =	sdelay $0x3  }
0x33: {  	p0 =	seq.s32 s10, $0x1;
	s10 =	sld [smem:$0x3FBA];
	_ =	sdelay $0x3  }
0x34: {  	[smem:$0x3FBA] =	sst s10  }
0x35: {  	s10 =	sld [smem:$0x3FB9];
	_ =	sdelay $0x3  }
0x36: {  	p1 =	seq.s32 s10, $0x1;
	s10 =	sld [smem:$0x3FBA];
	_ =	sdelay $0x3  }
0x37: {  	[smem:$0x3FBA] =	sst s10  }
0x38: {  	s10 =	sld [smem:$0x3FBB]  }
0x39: {  	_ = 	snop;
	(pc) =	sbr.ind lr, $3  }
0x3a: {  	_ = 	snop  }
0x3b: {  	_ = 	snop  }
0x3c: {  	p2 =	seq.s32 s10, $0x1;
	s10 =	sld [smem:$0x3FBA]  }
0x3d: {  	_ =	shalt  }
0x3e: {  	_ =	shalt  }
0x3f: {  	_ =	shalt  }
0x40: {  	_ =	shalt  }
0x41: {  	_ =	shalt  }
0x42: {  	_ =	shalt  }
0x43: {  	_ =	shalt  }
0x44: {  	_ =	shalt  }
0x45: {  	_ =	shalt  }
0x46: {  	_ =	shalt  }
0x47: {  	_ =	shalt  }
0x48: {  	_ =	shalt  }
0x49: {  	_ =	shalt  }
0x4a: {  	_ =	shalt  }
0x4b: {  	_ =	shalt  }
0x4c: {  	_ =	shalt  }
0x4d: {  	_ =	shalt  }
0x4e: {  	_ =	shalt  }
0x4f: {  	_ =	shalt  }
0x50: {  	_ =	shalt  }
0x51: {  	_ =	shalt  }
0x52: {  	_ =	shalt  }
0x53: {  	_ =	shalt  }
0x54: {  	_ =	shalt  }
0x55: {  	_ =	shalt  }
0x56: {  	_ =	shalt  }
0x57: {  	_ =	shalt  }
0x58: {  	_ =	shalt  }
0x59: {  	_ =	shalt  }
0x5a: {  	_ =	shalt  }
0x5b: {  	_ =	shalt  }
0x5c: {  	_ =	shalt  }
0x5d: {  	_ =	shalt  }
0x5e: {  	_ =	shalt  }
0x5f: {  	_ =	shalt  }
0x60: {  	_ =	shalt  }
0x61: {  	_ =	shalt  }
0x62: {  	_ =	shalt  }
0x63: {  	_ =	shalt  }
0x64: {  	_ =	shalt  }
0x65: {  	_ =	shalt  }
0x66: {  	_ =	shalt  }
0x67: {  	_ =	shalt  }
0x68: {  	_ =	shalt  }
0x69: {  	_ =	shalt  }
0x6a: {  	_ =	shalt  }
0x6b: {  	_ =	shalt  }
0x6c: {  	_ =	shalt  }
0x6d: {  	_ =	shalt  }
0x6e: {  	_ =	shalt  }
0x6f: {  	_ =	shalt  }
0x70: {  	_ =	shalt  }
0x71: {  	_ =	shalt  }
0x72: {  	_ =	shalt  }
0x73: {  	_ =	shalt  }
0x74: {  	_ =	shalt  }
0x75: {  	_ =	shalt  }
0x76: {  	_ =	shalt  }
0x77: {  	_ =	shalt  }
0x78: {  	_ =	shalt  }
0x79: {  	_ =	shalt  }
0x7a: {  	_ =	shalt  }
0x7b: {  	_ =	shalt  }
0x7c: {  	_ =	shalt  }
0x7d: {  	_ =	shalt  }
0x7e: {  	_ =	shalt  }
0x7f: {  	_ =	shalt  }
0x80: {  	_ =	shalt  }
0x81: {  	_ =	shalt  }
0x82: {  	_ =	shalt  }
0x83: {  	_ =	shalt  }
0x84: {  	_ =	shalt  }
0x85: {  	_ =	shalt  }
0x86: {  	_ =	shalt  }
0x87: {  	_ =	shalt  }
.Lfunc_end0:
.L_simem_size_0:
called_computation_lowered:
.L_overlay_start_0:
0x88: {  	s2 =	sld [smem:$0x3FD9]  }
0x89: {  	s3 =	sld [smem:$0x3FFE];
	_ =	sdelay $0x1  }
0x8a: {  	s1 =	srdreg.scid  }
0x8b: {  	s0 =	sand.u32 $0x1, s1  }
0x8c: {  	s16 =	sshll.u32 s0, $0xA;
	s2 =	sadd.s32 s3, s2  }
0x8d: {  	s2 =	sadd.s32 s2, s16  }
0x8e: {  	[smem:$0x3FC6] =	sst s2  }
0x8f: {  	_ = 	snop  }
0x90: {  	(tm) =	ssettm $0x1  }
0x91: {  	s17 =	sld [smem:$0x3FFB];
	_ =	sdelay $0x3  }
0x92: {  	_ =	strace s17  }
0x93: {  	s2 =	sld [smem:$0x3FFC];
	_ =	sdelay $0x3  }
0x94: {  	_ =	strace s2  }
0x95: {  	s2 =	sld [smem:$0x3FFD];
	_ =	sdelay $0x3  }
0x96: {  	_ =	strace s2  }
0x97: {  	_ =	strace $0x8FFFFFFF  }
0x98: {  	s18 =	sld [smem:$0x3FDB];
	_ =	sdelay $0x1  }
0x99: {  	s19 =	simm.s32 $_scs_section_size  }
0x9a: {  	s4 =	simm.s32 $_size__tile_overlayer_lowered;
	s5 =	simm.s32 $_tile_overlayer_lowered  }
0x9b: {  	s22 =	simm.s32 $0x1BFF;
	s21 =	sshll.u32 s5, $0x1;
	s2 =	sadd.s32 s19, s18  }
0x9c: {  	s6 =	simm.s32 $0x0;
	s20 =	sshll.u32 s4, $0x1;
	s4 =	sadd.s32 s21, s2  }
0x9d: {  	[timem:s6], [sflag:s22] =	dma.local [hbm:s4], s20  }
0x9e: {  	_ =	swait.ge [sflag:s22], s20  }
0x9f: {  	s3 =	ssub.s32 $0x0, s20;
	[sflag:s22] =	ssyncset.done $0x0  }
0xa0: {  	[sflag:s22] =	ssyncadd.s32 s3;
	_ =	sdelay $0x1  }
0xa1: {  	s23 =	simm.s32 $0x1B8B  }
0xa2: {  	_ =	swait.ge [sflag:s23], $0x1  }
0xa3: {  	[sflag:s23] =	ssyncset.done $0x0  }
0xa4: {  	s25 =	simm.s32 $0x1B8E;
	s24 =	sld [smem:$0x3FFE];
	[sflag:s23] =	ssyncadd.s32 $0xFFFFFFFF  }
0xa5: {  	s26 =	simm.s32 $execute0_lowered;
	[smem:$0x3FD2] =	sst s25  }
0xa6: {  	s4 =	sshll.u32 s26, $0x1;
	_ =	strace $0x80000046;
	[dreg:$0x1] =	wrdreg $0xFFFFFFFF  }
0xa7: {  	s28 =	simm.s32 $_size_execute0_lowered;
	s2 =	sadd.s32 s2, s4;
	[dreg:$0x0] =	wrdreg $0x0  }
0xa8: {  	s4 =	sshll.u32 s28, $0x1;
	[dreg:$0x2] =	wrdreg s2  }
0xa9: {  	[dreg:$0x3] =	wrdreg s4  }
0xaa: {  	[dreg:$0x4] =	wrdreg $0xC0  }
0xab: {  	_ =	task [dreg:s6], $0x5FFFF  }
0xac: {  	[dreg:$0x1] =	wrdreg $0xFFFFFFFF  }
0xad: {  	[dreg:$0x0] =	wrdreg $0x60  }
0xae: {  	[dreg:$0x2] =	wrdreg s24  }
0xaf: {  	[dreg:$0x3] =	wrdreg $0x9  }
0xb0: {  	_ =	task.clear_ibuf [dreg:s6], $0x4FFFF;
	_ =	strace $0x90000046  }
0xb1: {  	s29 =	simm.s32 $0x9;
	_ =	strace $0x80000048  }
0xb2: {  	_ =	swait.ge [sflag:s29], $0x1  }
0xb3: {  	[sflag:s29] =	ssyncadd.s32 $0xFFFFFFFF  }
0xb4: {  	_ =	strace $0x90000048  }
0xb5: {  	_ =	sfence  }
0xb6: {  	s30 =	sld [smem:$0x0];
	_ =	sdelay $0x2  }
0xb7: {  	s31 =	sshll.u32 s1, $0xD;
	s1 =	sshrl.u32 s1, $0x2  }
0xb8: {  	s3 =	sand.u32 $0x4000, s31;
	s1 =	sadd.s32 s1, s30  }
0xb9: {  	s0 =	sor.u32 s3, s0;
	s1 =	sshll.u32 s1, $0x11  }
0xba: {  	s0 =	sor.u32 s1, s0  }
0xbb: {  	s0 =	sadd.s32 $0x8F2B, s0  }
0xbc: {  	[sflag:s0] =	ssyncadd.remote.s32 $0x1  }
0xbd: {  	_ =	sfence.sel $0xFFFF  }
0xbe: {  	[dreg:$0x0] =	wrdreg $0xFFFFFFFF;
	(pc) =	sbr.abs _section_cstart, $3  }
0xbf: {  	[dreg:$0x1] =	wrdreg $0xFFFFFFFF  }
0xc0: {  	_ =	task.clear_ibuf [dreg:s6], $0x2FFFF;
	_ =	strace $0x9FFFFFFF  }
0xc1: {  	(tm) =	ssettm $0x7FFFFFFF  }
tec
execute0_lowered:
.L_overlay_start_1:
0x0: {  	(tag) =	ssettag $0x1  }
0x1: {  	s3 =	rddreg [dreg:$0x0];
	s1 =	simm.s32 $0x0  }
0x2: {  	[smem:$0x7FF] =	sst s1  }
0x3: {  	s0 =	rddreg [dreg:$0x1];
	v0 =	vimm.f32 $2.000000000e+00;
	_ =	strace $0x80000047  }
0x4: {  	v63 =	vimm.f32 $7.000000000e+00;
	(erf) = vrcp.f32 v0  }
0x5: {  	(erf) = vrcp.f32 v63;
	_ =	sdelay $0x2  }
0x6: {  	s4 =	srdreg.scid;
	s2 =	stileid.u32  }
0x7: {  	s4 =	sand.u32 $0x1, s4;
	s5 =	sshll.u32 s2, $0x1  }
0x8: {  	s5 =	sor.u32 s4, s5  }
0x9: {  	s4 =	ssub.s32 $0x2, s4;
	s6 =	sshll.u32 s5, $0x4;
	s5 =	smul.u32 $0x230, s5  }
0xa: {  	vm12 =	vcmask $0x3F18;
	v11 =	vimm.s32 $0x6;
	s7 =	sshrl.u32 s4, $0x1;
	s6 =	sadd.s32 s6, s3  }
0xb: {  	vm13 =	vcmask $0x3F1C;
	v14 =	vimm.s32 $0x8;
	vm14 =	vcmask $0x3F20;
	s7 =	ssub.s32 s4, s7;
	s3 =	sadd.s32 s3, s5;
	s4 =	sadd.s32 $0x4600, s6;
	v13 =	vpop (erf)  }
0xc: {  	v16 =	vimm.s32 $0x9;
	v12 =	vimm.s32 $0xA;
	v17 =	vimm.s32 $0xB;
	s5 =	smax.u32 s7, $0x1;
	s6 =	simm.s32 $0x1;
	s7 =	simm.s32 $0x1180;
	v15 =	vpop (erf)  }
.LBB2_1:
0xd: {  	[tilespmem:s1], [sflag:$0x1] =	stream.linear.gather [hbm4b:s3+s1], $0x1180, $0x38;
	[tilespmem:$0x1200] =	vst v63  }
0xe: {  	_ =	swait.ge [sflag:s6], $0x1180  }
0xf: {  	[sflag:s6] =	ssyncset.done $0x0  }
0x10: {  	[sflag:s6] =	ssyncadd.s32 $0xFFFFEE80  }
0x11: {  	v19 =	vld [tilespmem:$0x7C0]  }
0x12: {  	v18 =	vld [tilespmem:$0x840]  }
0x13: {  	v22 =	vld [tilespmem:$0x780]  }
0x14: {  	v20 =	vld [tilespmem:$0x800];
	_ =	sdelay $0x2  }
0x15: {  	v21 =	vadd.f32 v18, v19;
	_ =	sdelay $0x1  }
0x16: {  	v23 =	vadd.f32 v20, v22;
	v21 =	vmul.f32 v21, v13;
	_ =	sdelay $0x1  }
0x17: {  	v23 =	vmul.f32 v23, v13;
	v30 =	vmul.f32 $7.000000000e+00, v21;
	_ =	sdelay $0x1  }
0x18: {  	v31 =	vmul.f32 $7.000000000e+00, v23;
	v21 =	vtrunc.f32 v30  }
0x19: {  	v21 =	vcvt.f32.s32 v21  }
0x1a: {  	v23 =	vtrunc.f32 v31  }
0x1b: {  	v23 =	vcvt.f32.s32 v23;
	v21 =	vcvt.s32.f32 v21;
	_ =	sdelay $0x1  }
0x1c: {  	v23 =	vcvt.s32.f32 v23;
	v24 =	vadd.f32 $-1.000000000e+00, v21  }
0x1d: {  	vm0 =	veq.f32 v30, v21  }
0x1e: {  	v25 =	vadd.f32 $-1.000000000e+00, v23;
	v32 =	vsel vm0, v24, v21  }
0x1f: {  	vm5 =	veq.f32 v31, v23;
	v21 =	vmul.f32 $7.000000000e+00, v32  }
0x20: {  	v33 =	vsel vm5, v25, v23  }
0x21: {  	v21 =	vadd.f32 v21, v33;
	_ =	sdelay $0x1  }
0x22: {  	v21 =	vtrunc.f32 v21  }
0x23: {  	v21 =	vcvt.f32.s32 v21;
	_ =	sdelay $0x1  }
0x24: {  	vm6 =	vgt.s32 v21, $0x0  }
0x25: {  	v48 =	vnsel vm6, $0x0, v21  }
0x26: {  	v24 =	vmin.u32 v48, $0x30  }
0x27: {  	v27 =	vor.u32 $0x40, v24  }
0x28: {  	v23 =	vmulhi.u32 $0x24924925, v24;
	v50 =	vor.u32 $0x80, v24  }
0x29: {  	v51 =	vor.u32 $0xC0, v24  }
0x2a: {  	v53 =	vor.u32 $0x180, v24;
	v49 =	vmul.u32 $0xF9, v23  }
0x2b: {  	v26 =	vsub.s32 $0x0, v24;
	v35 =	vor.u32 $0x200, v24;
	v37 =	vld.idx.msk [tilespmem:v24+s1+$0x0], $0xffff  }
0x2c: {  	v52 =	vor.u32 $0x140, v24;
	v26 =	vand.u32 $0xFF, v26;
	v25 =	vand.u32 $0xFF, v49;
	v38 =	vld.idx.msk [tilespmem:v27+s1+$0x0], $0xffff  }
0x2d: {  	vm7 =	vlt.s32 v21, $0x1;
	v34 =	vor.u32 $0x1C0, v24;
	vm1 =	vne.s32 v25, v26;
	v25 =	vld.idx.msk [tilespmem:v50+s1+$0x0], $0xffff  }
0x2e: {  	v0 =	vimm.s32 $0x0;
	v26 =	vld.idx.msk [tilespmem:v51+s1+$0x0], $0xffff;
	vm0 =	vmand vm7, vm1  }
0x2f: {  	v42 =	vld.idx.msk [tilespmem:v53+s1+$0x0], $0xffff;
	v28 =	vsel vm0, $0xFFFFFFFF, v0  }
0x30: {  	v35 =	vld.idx.msk [tilespmem:v35+s1+$0x0], $0xffff;
	v23 =	vadd.s32 v23, v28  }
0x31: {  	v41 =	vld.idx.msk [tilespmem:v52+s1+$0x0], $0xffff;
	v29 =	vmul.u32 $0xFFFFFFF9, v23;
	v23 =	vcvt.s32.f32 v23  }
0x32: {  	v36 =	vsub.f32 v20, v22;
	v40 =	vld.idx.msk [tilespmem:v34+s1+$0x0], $0xffff  }
0x33: {  	v39 =	vmul.f32 v25, v13;
	v29 =	vadd.s32 v24, v29;
	v55 =	vadd.f32 v23, v38  }
0x34: {  	v43 =	vmul.f32 v26, v13;
	v23 =	vadd.f32 v23, v42;
	v29 =	vcvt.s32.f32 v29  }
0x35: {  	v34 =	vsub.f32 v18, v19;
	v46 =	vmul.f32 v35, v13;
	v27 =	vmul.f32 v55, v15  }
0x36: {  	v23 =	vmul.f32 v23, v15;
	v54 =	vadd.f32 v29, v37;
	v29 =	vadd.f32 v29, v41  }
0x37: {  	v57 =	vmul.f32 v40, v13;
	v45 =	vsub.f32 v27, v43;
	v27 =	vadd.f32 v27, v43  }
0x38: {  	v49 =	vsub.f32 v23, v46;
	v23 =	vadd.f32 v23, v46;
	v28 =	vmul.f32 v54, v15  }
0x39: {  	v29 =	vmul.f32 v29, v15;
	v48 =	vsub.f32 v27, v45;
	v27 =	vmin.f32 v18, v27  }
0x3a: {  	v45 =	vmax.f32 v19, v45;
	v59 =	vsub.f32 v23, v49;
	v44 =	vsub.f32 v28, v39  }
0x3b: {  	v23 =	vmin.f32 v18, v23;
	v28 =	vadd.f32 v28, v39;
	v58 =	vsub.f32 v29, v57  }
0x3c: {  	v60 =	vmax.f32 v19, v49;
	v29 =	vadd.f32 v29, v57;
	v27 =	vsub.f32 v27, v45  }
0x3d: {  	v47 =	vmul.f32 v34, v36;
	v23 =	vsub.f32 v23, v60;
	v39 =	vsub.f32 v28, v44  }
0x3e: {  	v28 =	vmin.f32 v20, v28;
	v56 =	vmax.f32 v22, v44;
	v44 =	vsub.f32 v29, v58  }
0x3f: {  	v29 =	vmin.f32 v20, v29;
	v43 =	vmax.f32 v22, v58;
	v28 =	vsub.f32 v28, v56  }
0x40: {  	v27 =	vmax.f32 v27, $0.0e+00;
	v29 =	vsub.f32 v29, v43;
	v39 =	vmul.f32 v39, v48  }
0x41: {  	v23 =	vmax.f32 v23, $0.0e+00;
	v61 =	vmul.f32 v44, v59;
	v28 =	vmax.f32 v28, $0.0e+00  }
0x42: {  	v29 =	vmax.f32 v29, $0.0e+00;
	v27 =	vmul.f32 v28, v27;
	v39 =	vadd.f32 v39, v47  }
0x43: {  	v23 =	vmul.f32 v29, v23;
	v28 =	vadd.f32 v61, v47  }
0x44: {  	v62 =	vsub.f32 v39, v27  }
0x45: {  	v28 =	vsub.f32 v28, v23  }
0x46: {  	v29 =	vmax.f32 v62, $9.999999960e-13  }
0x47: {  	v28 =	vmax.f32 v28, $9.999999960e-13;
	(erf) = vrcp.f32 v29  }
0x48: {  	(erf) = vrcp.f32 v28;
	_ =	sdelay $0x7  }
0x49: {  	v63 =	vpop (erf)  }
0x4a: {  	v0 =	vpop (erf)  }
0x4b: {  	v27 =	vmul.f32 v63, v27;
	v23 =	vmul.f32 v0, v23;
	_ =	sdelay $0x1  }
0x4c: {  	vm1 =	vgt.f32 v23, v27  }
0x4d: {  	v46 =	vsel vm1, v40, v25  }
0x4e: {  	v25 =	vshra.s32 v46, $0x1  }
0x4f: {  	v25 =	vadd.s32 $0x1FBD1DF6, v25  }
0x50: {  	(erf) = vrcp.f32 v25;
	_ =	sdelay $0x8  }
0x51: {  	v1 =	vpop (erf)  }
0x52: {  	v28 =	vmul.f32 v1, v46;
	_ =	sdelay $0x1  }
0x53: {  	v25 =	vadd.f32 v25, v28;
	_ =	sdelay $0x1  }
0x54: {  	v25 =	vmul.f32 $5.000000000e-01, v25;
	_ =	sdelay $0x1  }
0x55: {  	(erf) = vrcp.f32 v25;
	_ =	sdelay $0x8  }
0x56: {  	v2 =	vpop (erf)  }
0x57: {  	v28 =	vmul.f32 v2, v46;
	_ =	sdelay $0x1  }
0x58: {  	v25 =	vadd.f32 v28, v25;
	_ =	sdelay $0x1  }
0x59: {  	v47 =	vmul.f32 $5.000000000e-01, v25  }
0x5a: {  	v3 =	vshra.s32 v36, $0x1  }
0x5b: {  	v25 =	vadd.s32 $0x1FBD1DF6, v3;
	(erf) = vrcp.f32 v47  }
0x5c: {  	(erf) = vrcp.f32 v25;
	_ =	sdelay $0x7  }
0x5d: {  	v4 =	vpop (erf)  }
0x5e: {  	v5 =	vpop (erf)  }
0x5f: {  	v28 =	vmul.f32 v5, v36;
	_ =	sdelay $0x1  }
0x60: {  	v25 =	vadd.f32 v25, v28;
	_ =	sdelay $0x1  }
0x61: {  	v25 =	vmul.f32 $5.000000000e-01, v25;
	_ =	sdelay $0x1  }
0x62: {  	(erf) = vrcp.f32 v25;
	_ =	sdelay $0x8  }
0x63: {  	v6 =	vpop (erf)  }
0x64: {  	v28 =	vmul.f32 v6, v36;
	_ =	sdelay $0x1  }
0x65: {  	v25 =	vadd.f32 v28, v25  }
0x66: {  	v44 =	vld [tilespmem:$0x1080]  }
0x67: {  	v39 =	vld [tilespmem:$0x1100];
	v50 =	vsel vm1, v35, v26;
	v49 =	vmul.f32 $5.000000000e-01, v25  }
0x68: {  	v7 =	vshra.s32 v50, $0x1  }
0x69: {  	v25 =	vadd.s32 $0x1FBD1DF6, v7;
	(erf) = vrcp.f32 v49  }
0x6a: {  	(erf) = vrcp.f32 v25  }
0x6b: {  	v19 =	vadd.f32 v19, v22  }
0x6c: {  	v29 =	vadd.f32 v39, v44  }
0x6d: {  	v19 =	vadd.f32 v20, v19  }
0x6e: {  	v30 =	vsub.f32 v30, v32;
	v20 =	vmul.f32 v29, v13  }
0x6f: {  	v33 =	vsub.f32 v31, v33;
	vm7 =	vcmask $0x3F04;
	v18 =	vadd.f32 v18, v19  }
0x70: {  	v45 =	vld [tilespmem:$0x1040];
	v57 =	vcvt.s32.f32 v21;
	v58 =	vimm.s32 $0x0;
	v52 =	vmul.f32 $7.000000000e+00, v20  }
0x71: {  	v22 =	vimm.s32 $0x4;
	v43 =	vld [tilespmem:$0x10C0];
	vm8 =	vlt.f32 v18, $0.0e+00;
	vm2 =	vgt.f32 v18, $0.0e+00  }
0x72: {  	vm0 =	vmor vm2, vm8;
	v48 =	vtrunc.f32 v52;
	v40 =	vmax.f32 v27, v23;
	v26 =	vpop (erf)  }
0x73: {  	v56 =	vcvt.f32.s32 v48;
	vm9 =	vlt.f32 v40, $0.0e+00;
	vm3 =	vgt.f32 v40, $0.0e+00;
	v28 =	vpop (erf)  }
0x74: {  	v61 =	vperm.xlane v57, v58;
	vm2 =	vmor vm3, vm9;
	v19 =	vmul.f32 v28, v50  }
0x75: {  	vm0 =	vmneg vm0;
	v21 =	vcvt.s32.f32 v56;
	vm2 =	vmneg vm2  }
0x76: {  	vm0 =	vmor vm0, vm2;
	v18 =	vadd.f32 v25, v19;
	v19 =	vadd.f32 v43, v45  }
0x77: {  	vm4 =	veq.f32 v61, v57;
	v29 =	vimm.s32 $0x2;
	v55 =	vsel vm0, $0xBF800000, v40  }
0x78: {  	v63 =	vadd.f32 $-1.000000000e+00, v21;
	v59 =	vperm.xlane v55, v58;
	v35 =	vmul.f32 v19, v13  }
0x79: {  	v38 =	vsel vm1, v42, v38;
	v53 =	vperm.xlane v55, v29;
	v18 =	vmul.f32 $5.000000000e-01, v18  }
0x7a: {  	vm10 =	vgt.f32 v59, v55;
	vm11 =	veq.f32 v59, v55;
	v51 =	vmul.f32 $7.000000000e+00, v35  }
0x7b: {  	vm3 =	vmand vm11, vm7;
	v1 =	vimm.s32 $0x1;
	(erf) = vrcp.f32 v18  }
0x7c: {  	vm2 =	vmor vm10, vm3;
	[tilespmem:$0x1FFB0] =	vst v4;
	v4 =	vperm.xlane v55, v1;
	v60 =	vtrunc.f32 v51  }
0x7d: {  	vm7 =	veq.f32 v52, v21;
	vm2 =	vmand vm4, vm2;
	v23 =	vcvt.f32.s32 v60  }
0x7e: {  	v2 =	vimm.s32 $0x0;
	vm15 =	vgt.f32 v4, v55;
	vm5 =	veq.f32 v4, v55  }
0x7f: {  	v6 =	vsel vm7, v63, v21;
	v7 =	vperm.xlane v57, v1;
	v62 =	vcvt.s32.f32 v23  }
0x80: {  	vm7 =	vcmask $0x3F24;
	v20 =	vmul.f32 $7.000000000e+00, v6;
	v35 =	vperm.xlane v57, v29  }
0x81: {  	[tilespmem:$0x1FFE0] =	vst v6;
	v6 =	vperm.xlane v57, v22;
	vm10 =	veq.f32 v7, v57;
	v5 =	vadd.f32 $-1.000000000e+00, v62  }
0x82: {  	vm4 =	veq.f32 v35, v57;
	v60 =	vimm.s32 $0x3;
	vm8 =	veq.f32 v51, v62  }
0x83: {  	v61 =	vperm.xlane v57, v60;
	v63 =	vperm.xlane v55, v60;
	v28 =	vsel vm8, v5, v62  }
0x84: {  	[tilespmem:$0x1FFC0] =	vst v26;
	v60 =	vperm.xlane v55, v22;
	v21 =	vpop (erf);
	vm8 =	vcmask $0x3F08;
	v26 =	vadd.f32 v20, v28  }
0x85: {  	vm9 =	vmand vm5, vm8;
	v25 =	vmul.f32 v21, v50;
	vm5 =	vgt.f32 v53, v55  }
0x86: {  	vm3 =	vmor vm15, vm9;
	vm15 =	veq.f32 v53, v55;
	v59 =	vtrunc.f32 v26  }
0x87: {  	vm9 =	vcmask $0x3F0C;
	v18 =	vadd.f32 v25, v18;
	v48 =	vcvt.f32.s32 v59  }
0x88: {  	vm3 =	vmand vm10, vm3;
	vm11 =	vmand vm15, vm9;
	vm10 =	vcmask $0x3F10  }
0x89: {  	v56 =	vmul.f32 $5.000000000e-01, v18;
	v18 =	vshra.s32 v34, $0x1;
	vm6 =	vgt.s32 v48, $0x0  }
0x8a: {  	vm5 =	vmor vm5, vm11;
	v23 =	vadd.s32 $0x1FBD1DF6, v18;
	v18 =	vnsel vm6, $0x0, v48  }
0x8b: {  	vm2 =	vmor vm2, vm3;
	vm3 =	veq.f32 v61, v57;
	v18 =	vmin.u32 v18, $0x30  }
0x8c: {  	vm11 =	vcmask $0x3F14;
	(erf) = vrcp.f32 v56;
	v62 =	vmulhi.u32 $0x24924925, v18  }
0x8d: {  	vm9 =	vmand vm4, vm5;
	(erf) = vrcp.f32 v23;
	v4 =	vor.u32 $0x900, v18  }
0x8e: {  	vm4 =	vgt.f32 v63, v55;
	vm5 =	veq.f32 v63, v55;
	v0 =	vmul.u32 $0xF9, v62  }
0x8f: {  	vm2 =	vmor vm9, vm2;
	v1 =	vsub.s32 $0x0, v18;
	v3 =	vor.u32 $0x8C0, v18  }
0x90: {  	v53 =	vor.u32 $0x980, v18;
	v27 =	vand.u32 $0xFF, v1;
	v25 =	vand.u32 $0xFF, v0  }
0x91: {  	vm6 =	vlt.s32 v48, $0x1;
	vm15 =	vne.s32 v25, v27;
	v25 =	vor.u32 $0x940, v18  }
0x92: {  	vm5 =	vmand vm5, vm10;
	v0 =	vld.idx.msk [tilespmem:v4+s1+$0x0], $0xffff;
	v4 =	vor.u32 $0xA00, v18;
	vm6 =	vmand vm6, vm15  }
0x93: {  	vm4 =	vmor vm4, vm5;
	v61 =	vor.u32 $0xA80, v18;
	v5 =	vsel vm6, $0xFFFFFFFF, v2  }
0x94: {  	vm5 =	vgt.f32 v60, v55;
	v1 =	vor.u32 $0xAC0, v18;
	v26 =	vld.idx.msk [tilespmem:v3+s1+$0x0], $0xffff;
	v59 =	vadd.s32 v62, v5  }
0x95: {  	vm3 =	vmand vm3, vm4;
	vm4 =	veq.f32 v60, v55;
	v53 =	vld.idx.msk [tilespmem:v53+s1+$0x0], $0xffff;
	v58 =	vpop (erf);
	v7 =	vmul.u32 $0xFFFFFFF9, v59  }
0x96: {  	vm2 =	vmor vm3, vm2;
	vm3 =	veq.f32 v6, v57;
	v54 =	vpop (erf);
	v5 =	vor.u32 $0xA40, v18;
	v35 =	vld.idx.msk [tilespmem:v25+s1+$0x0], $0xffff  }
0x97: {  	[tilespmem:$0x1FFD0] =	vst v28;
	vm4 =	vmand vm4, vm11;
	v54 =	vmul.f32 v54, v34;
	v28 =	vld.idx.msk [tilespmem:v4+s1+$0x0], $0xffff;
	v6 =	vadd.s32 v18, v7  }
0x98: {  	v19 =	vimm.s32 $0xC;
	vm4 =	vmor vm5, vm4;
	v4 =	vld.idx.msk [tilespmem:v61+s1+$0x0], $0xffff;
	v62 =	vcvt.s32.f32 v6  }
0x99: {  	vm3 =	vmand vm3, vm4;
	v59 =	vcvt.s32.f32 v59;
	v23 =	vadd.f32 v23, v54;
	v54 =	vld.idx.msk [tilespmem:v1+s1+$0x0], $0xffff  }
0x9a: {  	vm2 =	vmor vm3, vm2;
	v25 =	vsub.f32 v43, v45;
	v7 =	vadd.f32 v62, v26  }
0x9b: {  	v21 =	vmul.f32 v53, v13;
	v60 =	vadd.f32 v59, v0;
	v63 =	vmul.f32 $5.000000000e-01, v23;
	v27 =	vld.idx.msk [tilespmem:v5+s1+$0x0], $0xffff  }
0x9c: {  	v23 =	vsub.f32 v39, v44;
	v3 =	vmul.f32 v35, v13;
	v2 =	vmul.f32 v7, v15  }
0x9d: {  	v60 =	vmul.f32 v60, v15;
	(erf) = vrcp.f32 v63;
	v62 =	vadd.f32 v62, v28  }
0x9e: {  	[tilespmem:$0x1FFF0] =	vst v0;
	v7 =	vmul.f32 v4, v13;
	v0 =	vmul.f32 v54, v13;
	v29 =	vsub.f32 v2, v3  }
0x9f: {  	v62 =	vmul.f32 v62, v15;
	v2 =	vadd.f32 v2, v3;
	v3 =	vsub.f32 v60, v21  }
0xa0: {  	v60 =	vadd.f32 v60, v21;
	v21 =	vimm.s32 $0x5;
	v59 =	vadd.f32 v59, v27  }
0xa1: {  	v61 =	vperm.xlane v57, v21;
	v10 =	vsub.f32 v62, v7;
	v7 =	vadd.f32 v62, v7  }
0xa2: {  	v8 =	vperm.xlane v55, v21;
	v5 =	vsub.f32 v2, v29;
	v6 =	vsub.f32 v60, v3  }
0xa3: {  	v2 =	vmin.f32 v43, v2;
	v1 =	vmax.f32 v45, v29;
	v29 =	vmul.f32 v59, v15  }
0xa4: {  	v60 =	vmin.f32 v39, v60;
	v3 =	vmax.f32 v44, v3;
	v1 =	vsub.f32 v2, v1  }
0xa5: {  	v59 =	vmul.f32 v23, v25;
	v3 =	vsub.f32 v60, v3;
	v20 =	vsub.f32 v7, v10  }
0xa6: {  	v7 =	vmin.f32 v43, v7;
	v10 =	vmax.f32 v45, v10;
	vm10 =	veq.f32 v61, v57  }
0xa7: {  	vm11 =	veq.f32 v8, v55;
	vm8 =	vgt.f32 v8, v55;
	v62 =	vsub.f32 v29, v0  }
0xa8: {  	v2 =	vadd.f32 v29, v0;
	v5 =	vmul.f32 v5, v6;
	v7 =	vsub.f32 v7, v10  }
0xa9: {  	vm4 =	vmand vm11, vm12;
	v0 =	vperm.xlane v57, v11;
	v1 =	vmax.f32 v1, $0.0e+00  }
0xaa: {  	v3 =	vmax.f32 v3, $0.0e+00;
	vm4 =	vmor vm8, vm4;
	v29 =	vsub.f32 v2, v62  }
0xab: {  	v2 =	vmin.f32 v39, v2;
	v62 =	vmax.f32 v44, v62;
	v1 =	vmul.f32 v1, v3  }
0xac: {  	v9 =	vpop (erf);
	v5 =	vadd.f32 v5, v59;
	vm3 =	vmand vm10, vm4;
	vm11 =	veq.f32 v0, v57  }
0xad: {  	v0 =	vimm.s32 $0x7;
	v9 =	vmul.f32 v9, v34;
	v2 =	vsub.f32 v2, v62  }
0xae: {  	v62 =	vmax.f32 v7, $0.0e+00;
	vm2 =	vmor vm3, vm2;
	v7 =	vperm.xlane v57, v14  }
0xaf: {  	v60 =	vmul.f32 v20, v29;
	v5 =	vsub.f32 v5, v1;
	v20 =	vperm.xlane v55, v0  }
0xb0: {  	v29 =	vperm.xlane v57, v0;
	v9 =	vadd.f32 v9, v63;
	v2 =	vmax.f32 v2, $0.0e+00  }
0xb1: {  	v63 =	vperm.xlane v55, v11;
	v2 =	vmul.f32 v62, v2;
	v3 =	vadd.f32 v60, v59  }
0xb2: {  	v5 =	vmax.f32 v5, $9.999999960e-13;
	v59 =	vperm.xlane v55, v14;
	vm8 =	vgt.f32 v20, v55  }
0xb3: {  	v61 =	vmul.f32 $5.000000000e-01, v9;
	vm9 =	veq.f32 v63, v55;
	vm10 =	vgt.f32 v63, v55  }
0xb4: {  	v9 =	vor.u32 $0x240, v24;
	v3 =	vsub.f32 v3, v2;
	vm5 =	vmand vm9, vm13  }
0xb5: {  	(erf) = vrcp.f32 v61;
	vm4 =	vmor vm10, vm5;
	vm10 =	veq.f32 v20, v55  }
0xb6: {  	(erf) = vrcp.f32 v5;
	v3 =	vmax.f32 v3, $9.999999960e-13;
	vm9 =	vmand vm11, vm4  }
0xb7: {  	vm11 =	veq.f32 v29, v57;
	vm3 =	vmand vm10, vm14;
	vm10 =	vgt.f32 v59, v55  }
0xb8: {  	v29 =	vperm.xlane v57, v16;
	v5 =	vor.u32 $0x100, v24;
	(erf) = vrcp.f32 v3  }
0xb9: {  	vm2 =	vmor vm9, vm2;
	vm3 =	vmor vm8, vm3;
	vm9 =	veq.f32 v59, v55  }
0xba: {  	v3 =	vperm.xlane v55, v16;
	vm8 =	vcmask $0x3F2C;
	vm5 =	vmand vm9, vm7  }
0xbb: {  	vm3 =	vmand vm11, vm3;
	vm11 =	veq.f32 v7, v57;
	vm4 =	vmor vm10, vm5  }
0xbc: {  	v7 =	vperm.xlane v57, v17;
	vm2 =	vmor vm3, vm2;
	vm9 =	vmand vm11, vm4  }
0xbd: {  	vm4 =	veq.f32 v3, v55;
	vm2 =	vmor vm9, vm2;
	vm9 =	vcmask $0x3F28  }
0xbe: {  	vm3 =	vgt.f32 v3, v55;
	vm10 =	veq.f32 v29, v57;
	vm4 =	vmand vm4, vm9  }
0xbf: {  	vm11 =	veq.f32 v7, v57;
	v7 =	vor.u32 $0x3C0, v24;
	vm3 =	vmor vm3, vm4;
	v62 =	vpop (erf)  }
0xc0: {  	vm3 =	vmand vm10, vm3;
	vm10 =	vcmask $0x3F30;
	v20 =	vpop (erf);
	v34 =	vmul.f32 v62, v34  }
0xc1: {  	vm2 =	vmor vm3, vm2;
	v63 =	vpop (erf);
	v59 =	vmul.f32 v20, v1;
	v1 =	vperm.xlane v55, v12  }
0xc2: {  	v62 =	vadd.f32 v44, v45;
	v20 =	vperm.xlane v57, v12;
	v60 =	vmul.f32 v63, v2  }
0xc3: {  	v63 =	vperm.xlane v55, v17;
	v2 =	vor.u32 $0x280, v24;
	vm3 =	veq.f32 v1, v55  }
0xc4: {  	vm4 =	vgt.f32 v1, v55;
	vm5 =	veq.f32 v20, v57;
	vm15 =	vgt.f32 v60, v59  }
0xc5: {  	v20 =	vperm.xlane v55, v19;
	vm3 =	vmand vm3, vm8;
	v35 =	vsel vm15, v4, v35  }
0xc6: {  	vm6 =	vgt.f32 v63, v55;
	vm3 =	vmor vm4, vm3;
	v29 =	vshra.s32 v35, $0x1  }
0xc7: {  	vm4 =	veq.f32 v63, v55;
	v4 =	vor.u32 $0x2C0, v24;
	v3 =	vadd.s32 $0x1FBD1DF6, v29  }
0xc8: {  	v63 =	vor.u32 $0x300, v24;
	vm4 =	vmand vm4, vm10;
	(erf) = vrcp.f32 v3  }
0xc9: {  	vm3 =	vmand vm5, vm3;
	vm5 =	vcmask $0x3F34;
	vm4 =	vmor vm6, vm4  }
0xca: {  	vm2 =	vmor vm3, vm2;
	v29 =	vperm.xlane v57, v19;
	vm11 =	vmand vm11, vm4  }
0xcb: {  	v1 =	vld.idx.msk [tilespmem:v2+s1+$0x0], $0xffff;
	v2 =	vor.u32 $0x340, v24;
	vm4 =	veq.f32 v20, v55;
	vm2 =	vmor vm11, vm2  }
0xcc: {  	vm11 =	vgt.f32 v20, v55;
	vm4 =	vmand vm4, vm5;
	v20 =	vimm.s32 $0xD  }
0xcd: {  	vm3 =	vmor vm11, vm4;
	vm11 =	veq.f32 v29, v57;
	v29 =	vperm.xlane v55, v20;
	v4 =	vld.idx.msk [tilespmem:v4+s1+$0x0], $0xffff  }
0xce: {  	v44 =	vor.u32 $0x740, v24;
	vm6 =	vcmask $0x3F38;
	vm3 =	vmand vm11, vm3  }
0xcf: {  	v10 =	vperm.xlane v57, v20;
	v6 =	vld.idx.msk [tilespmem:v63+s1+$0x0], $0xffff;
	vm2 =	vmor vm3, vm2;
	vm3 =	veq.f32 v29, v55  }
0xd0: {  	v63 =	vor.u32 $0x380, v24;
	vm11 =	vgt.f32 v29, v55;
	vm3 =	vmand vm3, vm6  }
0xd1: {  	v34 =	vadd.f32 v34, v61;
	v1 =	vmul.f32 v1, v1;
	v2 =	vld.idx.msk [tilespmem:v2+s1+$0x0], $0xffff;
	vm3 =	vmor vm11, vm3;
	v8 =	vpop (erf)  }
0xd2: {  	vm11 =	veq.f32 v10, v57;
	v4 =	vmul.f32 v4, v4;
	v8 =	vmul.f32 v8, v35  }
0xd3: {  	v9 =	vld.idx.msk [tilespmem:v9+s1+$0x0], $0xffff;
	v32 =	vmax.f32 v59, v60;
	v10 =	vor.u32 $0x400, v24;
	vm3 =	vmand vm11, vm3  }
0xd4: {  	v5 =	vld.idx.msk [tilespmem:v5+s1+$0x0], $0xffff;
	v1 =	vadd.f32 v4, v1;
	v4 =	vmul.f32 v6, v6;
	v3 =	vadd.f32 v3, v8  }
0xd5: {  	v29 =	vimm.s32 $0xE;
	vm11 =	vcmask $0x3F3C;
	vm2 =	vmor vm3, vm2;
	v6 =	vld.idx.msk [tilespmem:v63+s1+$0x0], $0xffff  }
0xd6: {  	v2 =	vmul.f32 v2, v2;
	v1 =	vadd.f32 v4, v1;
	v3 =	vmul.f32 $5.000000000e-01, v3  }
0xd7: {  	v63 =	vor.u32 $0x440, v24;
	v4 =	vld.idx.msk [tilespmem:v7+s1+$0x0], $0xffff;
	v7 =	vperm.xlane v57, v29;
	v8 =	vperm.xlane v55, v29  }
0xd8: {  	v1 =	vadd.f32 v2, v1;
	v2 =	vld.idx.msk [tilespmem:v10+s1+$0x0], $0xffff;
	v10 =	vimm.s32 $0xF;
	(erf) = vrcp.f32 v3  }
0xd9: {  	vm3 =	vgt.f32 v8, v55;
	vm4 =	veq.f32 v8, v55;
	v8 =	vsel vm1, v41, v37  }
0xda: {  	v41 =	vor.u32 $0x480, v24;
	v6 =	vmul.f32 v6, v6;
	v37 =	vsel vm1, v9, v5  }
0xdb: {  	v5 =	vperm.xlane v57, v10;
	v9 =	vor.u32 $0x4C0, v24;
	v42 =	vperm.xlane v55, v10  }
0xdc: {  	v10 =	vor.u32 $0x500, v24;
	vm4 =	vmand vm4, vm11;
	vm11 =	veq.f32 v7, v57  }
0xdd: {  	v7 =	vld.idx.msk [tilespmem:v63+s1+$0x0], $0xffff;
	v45 =	vmul.f32 $5.000000000e-01, v37;
	vm3 =	vmor vm3, vm4;
	v1 =	vadd.f32 v6, v1  }
0xde: {  	v4 =	vmul.f32 v4, v4;
	vm1 =	veq.f32 v5, v57;
	v6 =	vsub.f32 v8, v33  }
0xdf: {  	v8 =	vsub.f32 v38, v30;
	vm3 =	vmand vm11, vm3;
	vm11 =	vgt.f32 v42, v55  }
0xe0: {  	v1 =	vadd.f32 v4, v1;
	v2 =	vmul.f32 v2, v2;
	vm2 =	vmor vm3, vm2  }
0xe1: {  	vm1 =	vmand vm1, vm11;
	v6 =	vmul.f32 v6, v6;
	v8 =	vmul.f32 v8, v8;
	v5 =	vld.idx.msk [tilespmem:v41+s1+$0x0], $0xffff;
	v57 =	vpop (erf)  }
0xe2: {  	v41 =	vor.u32 $0x540, v24;
	v42 =	vmul.f32 v7, v7;
	v7 =	vld.idx.msk [tilespmem:v9+s1+$0x0], $0xffff;
	v4 =	vmul.f32 v57, v35  }
0xe3: {  	vm3 =	vlt.f32 v32, $0.0e+00;
	v1 =	vadd.f32 v2, v1;
	v57 =	vld.idx.msk [tilespmem:v10+s1+$0x0], $0xffff;
	v10 =	vor.u32 $0x5C0, v24  }
0xe4: {  	vm11 =	vgt.f32 v32, $0.0e+00;
	v9 =	vld [tilespmem:$0x1FFB0];
	v3 =	vadd.f32 v4, v3;
	v4 =	vor.u32 $0x580, v24  }
0xe5: {  	vm1 =	vmor vm1, vm2;
	v6 =	vadd.f32 v8, v6;
	v1 =	vadd.f32 v42, v1  }
0xe6: {  	v42 =	vshra.s32 v25, $0x1;
	v55 =	vmul.f32 v5, v5;
	v33 =	vmul.f32 $5.000000000e-01, v3  }
0xe7: {  	vm4 =	vmor vm11, vm3;
	v6 =	vmul.f32 $5.000000000e+00, v6;
	v30 =	vadd.s32 $0x1FBD1DF6, v42;
	v41 =	vld.idx.msk [tilespmem:v41+s1+$0x0], $0xffff  }
0xe8: {  	v7 =	vmul.f32 v7, v7;
	v1 =	vadd.f32 v55, v1;
	v10 =	vld.idx.msk [tilespmem:v10+s1+$0x0], $0xffff;
	(erf) = vrcp.f32 v33  }
0xe9: {  	vm0 =	vmor vm0, vm1;
	v9 =	vmul.f32 v9, v46;
	v4 =	vld.idx.msk [tilespmem:v4+s1+$0x0], $0xffff;
	(erf) = vrcp.f32 v30  }
0xea: {  	v38 =	vld [tilespmem:$0x1FFC0];
	v46 =	vmul.f32 v58, v50;
	v1 =	vadd.f32 v7, v1;
	v5 =	vmul.f32 v57, v57  }
0xeb: {  	v50 =	vor.u32 $0x600, v24;
	v58 =	vmul.f32 $5.000000000e-01, v34;
	v55 =	vor.u32 $0x640, v24  }
0xec: {  	v9 =	vadd.f32 v9, v47;
	v47 =	vld [tilespmem:$0x880];
	v2 =	vmul.f32 v41, v41;
	v1 =	vadd.f32 v5, v1  }
0xed: {  	v31 =	vadd.f32 v46, v56;
	v46 =	vimm.s32 $0x0;
	v41 =	vadd.f32 v43, v62  }
0xee: {  	v1 =	vadd.f32 v2, v1;
	v10 =	vmul.f32 v10, v10;
	v56 =	vmul.f32 v4, v4  }
0xef: {  	v9 =	vmul.f32 $5.000000000e-01, v9;
	v3 =	vmul.f32 v38, v36;
	v36 =	vor.u32 $0x6C0, v24  }
0xf0: {  	v7 =	vld.idx.msk [tilespmem:v50+s1+$0x0], $0xffff;
	v38 =	vor.u32 $0x700, v24;
	v8 =	vadd.f32 v39, v41;
	v1 =	vadd.f32 v56, v1  }
0xf1: {  	v57 =	vor.u32 $0x680, v24;
	v3 =	vadd.f32 v3, v49;
	v61 =	vtrunc.f32 v47;
	v34 =	vpop (erf)  }
0xf2: {  	v49 =	vimm.s32 $0x1;
	vm1 =	vlt.f32 v8, $0.0e+00;
	v1 =	vadd.f32 v10, v1;
	v10 =	vpop (erf)  }
0xf3: {  	v5 =	vld.idx.msk [tilespmem:v55+s1+$0x0], $0xffff;
	vm2 =	vgt.f32 v8, $0.0e+00;
	v3 =	vmul.f32 $5.000000000e-01, v3;
	v10 =	vmul.f32 v10, v25  }
0xf4: {  	vm1 =	vmor vm2, vm1;
	vm2 =	vmneg vm4;
	v2 =	vcvt.f32.s32 v61  }
0xf5: {  	v7 =	vmul.f32 v7, v7;
	vm1 =	vmneg vm1;
	v10 =	vadd.f32 v30, v10  }
0xf6: {  	v3 =	vsub.f32 v9, v3;
	v9 =	vmul.f32 $5.000000000e-01, v31;
	vm1 =	vmor vm1, vm2  }
0xf7: {  	v31 =	vcvt.s32.f32 v48;
	v2 =	vshll.u32 v2, $0x6;
	v10 =	vmul.f32 $5.000000000e-01, v10  }
0xf8: {  	v9 =	vsub.f32 v9, v58;
	v4 =	vld.idx.msk [tilespmem:v57+s1+$0x0], $0xffff;
	v3 =	vmul.f32 v3, v3;
	v5 =	vmul.f32 v5, v5  }
0xf9: {  	v2 =	vor.u32 v24, v2;
	v47 =	vperm.xlane v31, v46;
	(erf) = vrcp.f32 v10  }
0xfa: {  	v42 =	vld.idx.msk [tilespmem:v36+s1+$0x0], $0xffff;
	v57 =	vimm.s32 $0x3;
	v61 =	vperm.xlane v31, v22;
	v9 =	vmul.f32 v9, v9  }
0xfb: {  	v41 =	vperm.xlane v31, v21;
	v2 =	vadd.s32 $0x280, v2;
	v58 =	vperm.xlane v31, v57  }
0xfc: {  	vm3 =	veq.f32 v47, v31;
	v3 =	vadd.f32 v9, v3;
	v9 =	vsub.f32 v37, v40  }
0xfd: {  	v47 =	vperm.xlane v31, v0;
	v4 =	vmul.f32 v4, v4;
	v1 =	vadd.f32 v7, v1  }
0xfe: {  	v43 =	vld.idx.msk [tilespmem:v38+s1+$0x0], $0xffff;
	v3 =	vmul.f32 $5.000000000e+00, v3;
	v8 =	vmul.f32 v9, v9;
	v30 =	vsel vm1, $0xBF800000, v32  }
0xff: {  	v1 =	vadd.f32 v5, v1;
	v5 =	vmul.f32 v42, v42;
	v9 =	vperm.xlane v30, v46  }
0x100: {  	v26 =	vsel vm15, v28, v26;
	v7 =	vld.idx.msk [tilespmem:v44+s1+$0x0], $0xffff;
	v50 =	vperm.xlane v30, v49;
	v59 =	vperm.xlane v30, v22  }
0x101: {  	vm11 =	vcmask $0x3F04;
	v2 =	vld.idx.msk [tilespmem:v2+s1+$0x0], $0xffff;
	v40 =	vperm.xlane v30, v21;
	v44 =	vperm.xlane v30, v11  }
0x102: {  	v3 =	vadd.f32 v3, v6;
	v46 =	vperm.xlane v30, v0;
	v21 =	vor.u32 $0xB80, v18;
	v48 =	vpop (erf)  }
0x103: {  	v1 =	vadd.f32 v4, v1;
	v4 =	vmul.f32 v43, v43;
	v24 =	vmul.f32 v48, v25  }
0x104: {  	vm2 =	veq.f32 v9, v30;
	vm4 =	vgt.f32 v9, v30;
	v3 =	vadd.f32 v3, v8  }
0x105: {  	vm2 =	vmand vm2, vm11;
	v7 =	vmul.f32 v7, v7;
	v9 =	vadd.f32 v24, v10  }
0x106: {  	vm11 =	vcmask $0x3F08;
	v2 =	vadd.f32 v2, v2;
	v1 =	vadd.f32 v5, v1  }
0x107: {  	vm2 =	vmor vm4, vm2;
	v24 =	vsel vm15, v54, v53;
	v36 =	vmul.f32 $5.000000000e-01, v9  }
0x108: {  	vm4 =	vgt.f32 v50, v30;
	v5 =	vmul.f32 v45, v37;
	v55 =	vshra.s32 v24, $0x1  }
0x109: {  	v1 =	vadd.f32 v4, v1;
	v4 =	vadd.s32 $0x1FBD1DF6, v55;
	(erf) = vrcp.f32 v36  }
0x10a: {  	vm2 =	vmand vm3, vm2;
	v38 =	vsub.f32 v3, v5;
	v3 =	vld.idx.msk [tilespmem:v21+s1+$0x0], $0xffff;
	(erf) = vrcp.f32 v4  }
0x10b: {  	vm3 =	veq.f32 v50, v30;
	v1 =	vadd.f32 v7, v1;
	v10 =	vperm.xlane v31, v49  }
0x10c: {  	v45 =	vperm.xlane v31, v11;
	v50 =	vperm.xlane v31, v14;
	vm3 =	vmand vm3, vm11  }
0x10d: {  	v37 =	vsub.f32 v1, v2;
	vm11 =	veq.f32 v10, v31;
	v10 =	vimm.s32 $0x2  }
0x10e: {  	v63 =	vimm.s32 $0xF;
	v9 =	vperm.xlane v30, v10;
	v56 =	vperm.xlane v31, v10;
	v10 =	vld [tilespmem:$0x100]  }
0x10f: {  	vm3 =	vmor vm4, vm3;
	v3 =	vmul.f32 v3, v3;
	v37 =	vadd.f32 $1.000000000e+00, v37  }
0x110: {  	v48 =	vperm.xlane v30, v14;
	v54 =	vperm.xlane v30, v16;
	vm3 =	vmand vm11, vm3  }
0x111: {  	v55 =	vperm.xlane v31, v16;
	vm11 =	vcmask $0x3F0C;
	vm2 =	vmor vm2, vm3  }
0x112: {  	vm3 =	veq.f32 v9, v30;
	vm4 =	vgt.f32 v9, v30;
	v9 =	vperm.xlane v30, v57;
	v39 =	vpop (erf)  }
0x113: {  	v57 =	vperm.xlane v30, v12;
	vm3 =	vmand vm3, vm11;
	v60 =	vmul.f32 v10, v10;
	v10 =	vpop (erf)  }
0x114: {  	vm11 =	veq.f32 v56, v31;
	vm3 =	vmor vm4, vm3;
	v22 =	vmul.f32 v10, v24  }
0x115: {  	v56 =	vshra.s32 v23, $0x1;
	vm4 =	veq.f32 v9, v30;
	vm3 =	vmand vm11, vm3  }
0x116: {  	vm11 =	vcmask $0x3F10;
	vm2 =	vmor vm3, vm2;
	v4 =	vadd.f32 v4, v22  }
0x117: {  	vm3 =	vgt.f32 v9, v30;
	vm4 =	vmand vm4, vm11;
	v9 =	vld [tilespmem:$0x240];
	vm11 =	veq.f32 v58, v31  }
0x118: {  	v58 =	vperm.xlane v31, v12;
	vm3 =	vmor vm3, vm4;
	v42 =	vmul.f32 $5.000000000e-01, v4  }
0x119: {  	vm4 =	vgt.f32 v59, v30;
	vm3 =	vmand vm11, vm3;
	vm11 =	vcmask $0x3F14  }
0x11a: {  	v62 =	vld [tilespmem:$0x110];
	vm2 =	vmor vm3, vm2;
	vm3 =	veq.f32 v59, v30;
	(erf) = vrcp.f32 v42  }
0x11b: {  	vm3 =	vmand vm3, vm11;
	vm11 =	veq.f32 v61, v31;
	v61 =	vperm.xlane v31, v17  }
0x11c: {  	v59 =	vld [tilespmem:$0x130];
	vm3 =	vmor vm4, vm3;
	v9 =	vmul.f32 v9, v9;
	vm4 =	veq.f32 v46, v30  }
0x11d: {  	v25 =	vmul.f32 v39, v25;
	vm3 =	vmand vm11, vm3;
	vm11 =	vgt.f32 v40, v30  }
0x11e: {  	v43 =	vld [tilespmem:$0x250];
	vm4 =	vmand vm4, vm14;
	v10 =	vor.u32 $0xBC0, v18;
	vm2 =	vmor vm3, vm2  }
0x11f: {  	vm3 =	veq.f32 v40, v30;
	v1 =	vadd.f32 v9, v60;
	v9 =	vmul.f32 v62, v62  }
0x120: {  	v60 =	vperm.xlane v30, v17;
	v62 =	vor.u32 $0xB40, v18;
	v25 =	vadd.f32 v25, v36  }
0x121: {  	v49 =	vld [tilespmem:$0x260];
	v36 =	vor.u32 $0xFC0, v18;
	vm3 =	vmand vm3, vm12;
	v22 =	vmul.f32 v59, v59  }
0x122: {  	vm3 =	vmor vm11, vm3;
	vm11 =	veq.f32 v41, v31;
	v1 =	vadd.f32 v9, v1  }
0x123: {  	v25 =	vmul.f32 $5.000000000e-01, v25;
	vm3 =	vmand vm11, vm3;
	v4 =	vmul.f32 v43, v43;
	v8 =	vpop (erf)  }
0x124: {  	vm2 =	vmor vm3, vm2;
	vm3 =	veq.f32 v44, v30;
	v53 =	vmul.f32 v8, v24  }
0x125: {  	vm11 =	vgt.f32 v44, v30;
	v44 =	vperm.xlane v30, v29;
	vm3 =	vmand vm3, vm13  }
0x126: {  	v1 =	vadd.f32 v4, v1;
	v4 =	vmul.f32 v49, v49;
	v2 =	vadd.f32 v53, v42  }
0x127: {  	v49 =	vor.u32 $0xC40, v18;
	vm3 =	vmor vm11, vm3;
	vm11 =	veq.f32 v45, v31  }
0x128: {  	vm3 =	vmand vm11, vm3;
	vm11 =	vgt.f32 v46, v30;
	v40 =	vmul.f32 $5.000000000e-01, v2  }
0x129: {  	vm2 =	vmor vm3, vm2;
	vm3 =	vmor vm11, vm4;
	vm11 =	veq.f32 v47, v31  }
0x12a: {  	vm3 =	vmand vm11, vm3;
	v2 =	vadd.s32 $0x1FBD1DF6, v56;
	(erf) = vrcp.f32 v40  }
0x12b: {  	v9 =	vld [tilespmem:$0x120];
	vm2 =	vmor vm3, vm2;
	vm3 =	veq.f32 v48, v30;
	(erf) = vrcp.f32 v2  }
0x12c: {  	v45 =	vor.u32 $0xD80, v18;
	vm11 =	vgt.f32 v48, v30;
	vm3 =	vmand vm3, vm7  }
0x12d: {  	v46 =	vperm.xlane v30, v19;
	vm3 =	vmor vm11, vm3;
	vm11 =	veq.f32 v50, v31  }
0x12e: {  	v47 =	vperm.xlane v31, v19;
	v48 =	vor.u32 $0xC00, v18;
	vm3 =	vmand vm11, vm3  }
0x12f: {  	v50 =	vor.u32 $0xB00, v18;
	vm2 =	vmor vm3, vm2;
	vm3 =	veq.f32 v54, v30  }
0x130: {  	vm11 =	vgt.f32 v54, v30;
	v8 =	vmul.f32 v9, v9;
	vm3 =	vmand vm3, vm9  }
0x131: {  	v54 =	vor.u32 $0xC80, v18;
	vm9 =	veq.f32 v55, v31;
	vm3 =	vmor vm11, vm3  }
0x132: {  	vm11 =	veq.f32 v57, v30;
	v1 =	vadd.f32 v8, v1;
	vm3 =	vmand vm9, vm3  }
0x133: {  	vm9 =	vgt.f32 v57, v30;
	vm4 =	vmand vm11, vm8;
	vm11 =	veq.f32 v58, v31;
	v5 =	vpop (erf)  }
0x134: {  	vm8 =	veq.f32 v60, v30;
	vm2 =	vmor vm3, vm2;
	vm3 =	vmor vm9, vm4;
	v9 =	vpop (erf)  }
0x135: {  	v1 =	vadd.f32 v4, v1;
	vm3 =	vmand vm11, vm3;
	v4 =	vld.idx.msk [tilespmem:v62+s1+$0x0], $0xffff;
	v9 =	vmul.f32 v9, v23  }
0x136: {  	vm9 =	vgt.f32 v60, v30;
	vm2 =	vmor vm3, vm2;
	vm3 =	vmand vm8, vm10  }
0x137: {  	v10 =	vld.idx.msk [tilespmem:v10+s1+$0x0], $0xffff;
	vm11 =	veq.f32 v61, v31;
	vm3 =	vmor vm9, vm3;
	v2 =	vadd.f32 v2, v9  }
0x138: {  	v43 =	vld [tilespmem:$0x1FFF0];
	v8 =	vor.u32 $0x9C0, v18;
	vm3 =	vmand vm11, vm3;
	v9 =	vperm.xlane v30, v20  }
0x139: {  	v7 =	vld.idx.msk [tilespmem:v48+s1+$0x0], $0xffff;
	vm8 =	veq.f32 v46, v30;
	vm2 =	vmor vm3, vm2;
	v2 =	vmul.f32 $5.000000000e-01, v2  }
0x13a: {  	v55 =	vld.idx.msk [tilespmem:v49+s1+$0x0], $0xffff;
	vm3 =	vmand vm8, vm5;
	v4 =	vmul.f32 v4, v4;
	vm11 =	veq.f32 v9, v30  }
0x13b: {  	v58 =	vld [tilespmem:$0x1FFD0];
	vm8 =	vgt.f32 v9, v30;
	v9 =	vor.u32 $0xCC0, v18;
	(erf) = vrcp.f32 v2  }
0x13c: {  	v57 =	vmul.f32 v10, v10;
	v10 =	vor.u32 $0xD00, v18;
	v60 =	vld [tilespmem:$0x1FFE0];
	v3 =	vadd.f32 v3, v4  }
0x13d: {  	v27 =	vsel vm15, v27, v43;
	v49 =	vperm.xlane v31, v29;
	v42 =	vor.u32 $0xD40, v18;
	v61 =	vld.idx.msk [tilespmem:v54+s1+$0x0], $0xffff  }
0x13e: {  	v53 =	vperm.xlane v31, v20;
	v56 =	vld.idx.msk [tilespmem:v50+s1+$0x0], $0xffff;
	v62 =	vmul.f32 v7, v7;
	v3 =	vadd.f32 v57, v3  }
0x13f: {  	v54 =	vor.u32 $0xE80, v18;
	vm10 =	veq.f32 v47, v31;
	vm9 =	vgt.f32 v46, v30;
	v8 =	vld.idx.msk [tilespmem:v8+s1+$0x0], $0xffff  }
0x140: {  	v41 =	vadd.f32 v22, v1;
	v1 =	vmul.f32 v55, v55;
	v3 =	vadd.f32 v62, v3;
	v9 =	vld.idx.msk [tilespmem:v9+s1+$0x0], $0xffff  }
0x141: {  	v55 =	vmul.f32 v34, v35;
	v59 =	vsub.f32 v51, v58;
	v46 =	vld.idx.msk [tilespmem:v10+s1+$0x0], $0xffff;
	v10 =	vor.u32 $0xDC0, v18  }
0x142: {  	v7 =	vld.idx.msk [tilespmem:v42+s1+$0x0], $0xffff;
	v51 =	vor.u32 $0xE40, v18;
	v47 =	vmul.f32 v61, v61;
	v1 =	vadd.f32 v1, v3  }
0x143: {  	v42 =	vor.u32 $0x1000, v18;
	v21 =	vsub.f32 v52, v60;
	v52 =	vld [tilespmem:$0x1140];
	vm3 =	vmor vm9, vm3  }
0x144: {  	vm9 =	veq.f32 v53, v31;
	v19 =	vsel vm15, v56, v8;
	v1 =	vadd.f32 v47, v1;
	v8 =	vpop (erf)  }
0x145: {  	v4 =	vld.idx.msk [tilespmem:v45+s1+$0x0], $0xffff;
	v48 =	vmul.f32 v9, v9;
	v9 =	vor.u32 $0xE00, v18;
	v8 =	vmul.f32 v8, v23  }
0x146: {  	vm3 =	vmand vm10, vm3;
	v21 =	vsub.f32 v27, v21;
	v45 =	vld.idx.msk [tilespmem:v36+s1+$0x0], $0xffff;
	v50 =	vmul.f32 v46, v46  }
0x147: {  	v10 =	vld.idx.msk [tilespmem:v10+s1+$0x0], $0xffff;
	v53 =	vmul.f32 v7, v7;
	v1 =	vadd.f32 v48, v1;
	v2 =	vadd.f32 v8, v2  }
0x148: {  	vm10 =	veq.f32 v44, v30;
	v6 =	vld.idx.msk [tilespmem:v51+s1+$0x0], $0xffff;
	v21 =	vmul.f32 v21, v21;
	v22 =	vtrunc.f32 v52  }
0x149: {  	v7 =	vld.idx.msk [tilespmem:v54+s1+$0x0], $0xffff;
	v60 =	vcvt.f32.s32 v22;
	v1 =	vadd.f32 v50, v1;
	v2 =	vmul.f32 $5.000000000e-01, v2  }
0x14a: {  	v57 =	vor.u32 $0xEC0, v18;
	v62 =	vperm.xlane v31, v63;
	v56 =	vmul.f32 v4, v4;
	v9 =	vld.idx.msk [tilespmem:v9+s1+$0x0], $0xffff  }
0x14b: {  	v5 =	vmul.f32 v5, v24;
	v1 =	vadd.f32 v53, v1;
	(erf) = vrcp.f32 v2  }
0x14c: {  	vm2 =	vmor vm3, vm2;
	v51 =	vmul.f32 v45, v45;
	v58 =	vmul.f32 v10, v10  }
0x14d: {  	v10 =	vor.u32 $0xF00, v18;
	v6 =	vmul.f32 v6, v6;
	v1 =	vadd.f32 v56, v1  }
0x14e: {  	v34 =	vmul.f32 v7, v7;
	v3 =	vshll.u32 v60, $0x6;
	v5 =	vadd.f32 v5, v40  }
0x14f: {  	v3 =	vor.u32 v18, v3;
	v1 =	vadd.f32 v58, v1;
	v9 =	vmul.f32 v9, v9  }
0x150: {  	v4 =	vld.idx.msk [tilespmem:v57+s1+$0x0], $0xffff;
	v20 =	vsub.f32 v26, v59;
	v26 =	vadd.f32 v55, v33;
	v59 =	vor.u32 $0xF40, v18  }
0x151: {  	v39 =	vld [tilespmem:$0x9C0];
	v57 =	vmul.f32 $5.000000000e-01, v19;
	v1 =	vadd.f32 v9, v1;
	v9 =	vor.u32 $0xF80, v18  }
0x152: {  	v3 =	vadd.s32 $0xB40, v3;
	v5 =	vmul.f32 $5.000000000e-01, v5;
	v61 =	vmul.f32 $5.000000000e-01, v26;
	v10 =	vld.idx.msk [tilespmem:v10+s1+$0x0], $0xffff  }
0x153: {  	v47 =	vld [tilespmem:$0xB10];
	v20 =	vmul.f32 v20, v20;
	vm3 =	vmand vm11, vm6;
	vm11 =	vgt.f32 v44, v30  }
0x154: {  	v43 =	vld [tilespmem:$0xB00];
	vm3 =	vmor vm8, vm3;
	vm8 =	vcmask $0x3F3C;
	v22 =	vsub.f32 v61, v25;
	v33 =	vpop (erf)  }
0x155: {  	v4 =	vmul.f32 v4, v4;
	v35 =	vld.idx.msk [tilespmem:v59+s1+$0x0], $0xffff;
	v1 =	vadd.f32 v6, v1;
	v23 =	vmul.f32 v33, v23  }
0x156: {  	vm3 =	vmand vm9, vm3;
	vm9 =	veq.f32 v49, v31;
	v49 =	vmul.f32 v39, v39;
	v9 =	vld.idx.msk [tilespmem:v9+s1+$0x0], $0xffff  }
0x157: {  	v44 =	vmul.f32 v10, v10;
	v10 =	vld [tilespmem:$0x9D0];
	v1 =	vadd.f32 v34, v1;
	v2 =	vadd.f32 v23, v2  }
0x158: {  	v7 =	vmul.f32 v47, v47;
	vm2 =	vmor vm3, vm2;
	vm3 =	vmand vm10, vm8  }
0x159: {  	v22 =	vmul.f32 v22, v22;
	v1 =	vadd.f32 v4, v1;
	v2 =	vmul.f32 $5.000000000e-01, v2  }
0x15a: {  	vm10 =	veq.f32 v62, v31;
	v46 =	vmul.f32 v35, v35;
	v48 =	vld.idx.msk [tilespmem:v42+s1+$0x0], $0xffff;
	v18 =	vmul.f32 v43, v43  }
0x15b: {  	v1 =	vadd.f32 v44, v1;
	v50 =	vmul.f32 v9, v9;
	v9 =	vld [tilespmem:$0x9E0];
	v2 =	vsub.f32 v5, v2  }
0x15c: {  	v52 =	vld [tilespmem:$0xB20];
	v10 =	vmul.f32 v10, v10;
	v6 =	vadd.f32 v18, v49;
	v18 =	vadd.f32 v21, v20  }
0x15d: {  	v3 =	vld.idx.msk [tilespmem:v3+s1+$0x0], $0xffff;
	vm3 =	vmor vm11, vm3;
	v1 =	vadd.f32 v46, v1;
	v2 =	vmul.f32 v2, v2  }
0x15e: {  	v6 =	vadd.f32 v10, v6;
	v10 =	vmul.f32 $5.000000000e+00, v18;
	v18 =	vsub.f32 v19, v32  }
0x15f: {  	vm15 =	vmand vm9, vm3;
	v53 =	vld [tilespmem:$0x9F0];
	v1 =	vadd.f32 v50, v1;
	v2 =	vadd.f32 v2, v22  }
0x160: {  	v8 =	vld [tilespmem:$0x270];
	v6 =	vadd.f32 v7, v6;
	v5 =	vmul.f32 v48, v48;
	v54 =	vmul.f32 v9, v9  }
0x161: {  	v1 =	vadd.f32 v51, v1;
	v9 =	vmul.f32 v18, v18;
	v18 =	vld [tilespmem:$0xB30];
	v2 =	vmul.f32 $5.000000000e+00, v2  }
0x162: {  	v3 =	vadd.f32 v3, v3;
	v56 =	vmul.f32 v52, v52;
	v55 =	vadd.f32 v54, v6  }
0x163: {  	vm2 =	vmor vm15, vm2;
	v1 =	vadd.f32 v5, v1;
	v2 =	vadd.f32 v2, v10  }
0x164: {  	v58 =	vmul.f32 v57, v19;
	v4 =	vmul.f32 v53, v53;
	v5 =	vadd.f32 v56, v55  }
0x165: {  	v1 =	vsub.f32 v1, v3;
	v10 =	vperm.xlane v30, v63;
	v2 =	vadd.f32 v2, v9  }
0x166: {  	v8 =	vmul.f32 v8, v8;
	v60 =	vmul.f32 v18, v18;
	v59 =	vadd.f32 v4, v5  }
0x167: {  	v1 =	vadd.f32 $1.000000000e+00, v1;
	vm11 =	vgt.f32 v10, v30;
	v2 =	vsub.f32 v2, v58  }
0x168: {  	v61 =	vadd.f32 v8, v41;
	vm3 =	vmand vm10, vm11;
	v3 =	vadd.f32 v60, v59  }
0x169: {  	v62 =	vadd.f32 v37, v38;
	vm2 =	vmor vm3, vm2;
	v1 =	vadd.f32 v1, v2  }
0x16a: {  	v63 =	vmul.f32 $5.000000000e-01, v61;
	vm1 =	vmor vm1, vm2;
	v3 =	vmul.f32 $5.000000000e-01, v3  }
0x16b: {  	v4 =	vsel vm0, $0x0, v62;
	v1 =	vsel vm1, $0x0, v1  }
0x16c: {  	v2 =	vadd.f32 v63, v4;
	v1 =	vadd.f32 v3, v1;
	_ =	sdelay $0x1  }
0x16d: {  	v1 =	vadd.f32 v1, v2;
	_ =	sdelay $0x1  }
0x16e: {  	(xrf2) =	vadd.scan.msk.f32 $0xffff, v1;
	_ =	sdelay $0x9  }
0x16f: {  	v1, _, _ =	vpop (xrf2)  }
0x170: {  	v1 =	vbroadcast v1, $0xF  }
0x171: {  	p0 =	sne.s32 s5, $0x1  }
.Ltmp0:
0x172: {  	[tilespmem:$0x1180] =	vst v1;
	(pc) =	sbr.rel @p0 .LBB2_1-.Ltmp0, $4  }
0x173: {  	[hbm4b:s4+s1] =	stream.linear.scatter [tilespmem:s7], [sflag:$0x1], $0x80, $0x38;
	[tilespmem:$0x1200] =	vst v63  }
0x174: {  	_ =	swait.ge [sflag:s6], $0x80  }
0x175: {  	[sflag:s6] =	ssyncset.done $0x0  }
0x176: {  	s5 =	sadd.s32 $0xFFFFFFFF, s5;
	[sflag:s6] =	ssyncadd.s32 $0xFFFFFF80  }
0x177: {  	_ =	sfence.sel $0x180000  }
0x178: {  	[bflag:$0x0] =	sbarrier.arrive $0xFFFF  }
0x179: {  	p0 =	sne.s32 s2, $0x0;
	_ =	strace $0x90000047  }
0x17a: {  	s0 =	sadd.s32 @!p0 $0x100000, s0;
	[bflag:$0x2] =	sbarrier.arrive $0xFFFF  }
0x17b: {  	[sflag:s0] =	ssyncadd.tile.s32 @!p0 $0x1;
	_ =	shalt  }
.Lfunc_end2:
_tile_overlayer_lowered:
.L_overlay_start_2:
0x17c: {  	(tag) =	ssettag $0x2  }
0x17d: {  	s0 =	rddreg [dreg:$0x0];
	s2 =	stileid.u32  }
0x17e: {  	s1 =	rddreg [dreg:$0x1];
	p0 =	sne.s32 s2, $0x0  }
0x17f: {  	s3 =	rddreg [dreg:$0x2];
	[bflag:$0x3] =	sbarrier.arrive $0xFFFF;
	s2 =	simm.s32 @!p0 $0x1C01  }
0x180: {  	[timem:s3], [sflag:s2] =	dma.local @!p0 [hbm:s0], s1  }
0x181: {  	s0 =	simm.s32 @!p0 $0x1  }
0x182: {  	_ =	swait.ge @!p0 [sflag:s0], s1  }
0x183: {  	s1 =	ssub.s32 @!p0 $0x0, s1;
	[sflag:s0] =	ssyncset.done @!p0 $0x0  }
0x184: {  	[sflag:s0] =	ssyncadd.s32 @!p0 s1  }
0x185: {  	[bflag:$0x3] =	sbarrier.arrive $0xFFFF  }
0x186: {  	_ =	shalt  }

</sc_bundles>
